<compile_context>
chip_gen: v7x
topology: tpu7x:2x2x1
jax: 0.10.2.dev20260603
libtpu: 0.0.44.dev20260713+nightly
codegen_flags: <defaults>
</compile_context>

<pallas_src>
import functools

import jax
import jax.numpy as jnp
from jax import lax
from jax.experimental import pallas as pl
from jax.experimental.pallas import tpu as pltpu
from jax.experimental.pallas import tpu_sc as plsc

N_IMGS = 64
N_OUT = 128
SPI = 144
SH = 8
SW = 384
NW = 32
IPW = N_OUT * SPI // NW
RB = 16
NB = IPW // RB
NBUF = 2


@functools.partial(
    pl.kernel,
    mesh=plsc.VectorSubcoreMesh(core_axis_name="c", subcore_axis_name="s"),
    out_type=jax.ShapeDtypeStruct((N_OUT * SPI, SH, SW), jnp.float32),
    scratch_types=[
        pltpu.VMEM((IPW,), jnp.int32),
        pltpu.VMEM((IPW,), jnp.int32),
        pltpu.VMEM((IPW,), jnp.int32),
        pltpu.VMEM((NBUF, RB, SH, SW), jnp.float32),
        pltpu.SemaphoreType.DMA,
        pltpu.SemaphoreType.DMA,
        pltpu.SemaphoreType.DMA,
        pltpu.SemaphoreType.DMA,
        pltpu.SemaphoreType.DMA,
    ],
)
def _sc_gather(idx_hbm, table_hbm, out_hbm, ilist_v, rowv_v, src_v, buf,
               isem, g0s, g1s, w0s, w1s):
    gs = (g0s, g1s)
    ws = (w0s, w1s)
    wid = lax.axis_index("s") * 2 + lax.axis_index("c")
    base = wid * IPW
    lane = lax.broadcasted_iota(jnp.int32, (16,), 0)

    def build_ilist(j, carry):
        sl = pl.ds(pl.multiple_of(j * 16, 16), 16)
        ilist_v[sl] = jnp.full((16,), (base + j * 16) // SPI, jnp.int32)
        return carry

    lax.fori_loop(0, IPW // 16, build_ilist, 0)
    pltpu.async_copy(idx_hbm.at[ilist_v], rowv_v, isem).wait()

    def expand(j, carry):
        sl = pl.ds(pl.multiple_of(j * 16, 16), 16)
        rest0 = lax.rem(j * 16, SPI)
        src_v[sl] = rowv_v[sl] * SPI + (rest0 + lane)
        return carry

    lax.fori_loop(0, IPW // 16, expand, 0)

    rot = lax.rem(wid * 7, NB)

    def fire_g(k, b):
        kk = lax.rem(k + rot, NB)
        sl = pl.ds(pl.multiple_of(kk * RB, RB), RB)
        pltpu.async_copy(table_hbm.at[src_v.at[sl]], buf.at[b], gs[b])

    def wait_g(b):
        pltpu.make_async_copy(
            table_hbm.at[pl.ds(0, RB)], buf.at[b], gs[b]).wait()

    def fire_w(k, b):
        kk = lax.rem(k + rot, NB)
        dst = out_hbm.at[pl.ds(base + kk * RB, RB)]
        pltpu.async_copy(buf.at[b], dst, ws[b])

    def wait_w(b):
        pltpu.make_async_copy(
            buf.at[b], out_hbm.at[pl.ds(0, RB)], ws[b]).wait()

    fire_g(0, 0)
    for k in range(2):
        b = k % NBUF
        wait_g(b)
        if k >= 1:
            wait_w((k + 1) % NBUF)
        fire_g(k + 1, (k + 1) % NBUF)
        fire_w(k, b)

    def steady(k2, carry):
        for b in range(NBUF):
            k = k2 * NBUF + b
            wait_g(b)
            wait_w((b + 1) % NBUF)
            fire_g(k + 1, (b + 1) % NBUF)
            fire_w(k, b)
        return carry

    lax.fori_loop(1, NB // NBUF - 1, steady, 0)

    for k in range(NB - 2, NB):
        b = k % NBUF
        wait_g(b)
        if k + 1 < NB:
            wait_w((k + 1) % NBUF)
            fire_g(k + 1, (k + 1) % NBUF)
        fire_w(k, b)
    for k in range(NB - 2, NB):
        wait_w(k % NBUF)


def kernel(idx, imgs):
    idx = idx.astype(jnp.int32)
    table = imgs.reshape(N_IMGS * SPI, SH, SW)
    out = _sc_gather(idx, table)
    return out.reshape(N_OUT, 3, 384, 384)

# --- scband reference (transcript-rebuilt; emitter-appended) ---
"""Pipeline reference for scband-direct-generator-51677046505706 (READ-ONLY COPY).

The authoritative reference and input builder live on the scoring server;
editing this copy changes nothing except your own understanding.
"""

import jax, jax.numpy as jnp
import numpy as np


def setup_inputs(seed: int = 0):
    key = jax.random.key(seed)
    k_idx, k_imgs = jax.random.split(key)
    idx = jax.random.randint(k_idx, (128,), 0, 64)
    # Learned parameter: bank of N=len(z)=64 images of shape (3, 384, 384)
    imgs = jax.random.normal(k_imgs, (64, 3, 384, 384), dtype=jnp.float32)
    return {"idx": idx, "imgs": imgs}


def reference(idx, imgs):
    # Faithful translation of DirectGenerator.forward: self.imgs[idx]
    assert idx.ndim == 1
    return jnp.take(imgs, idx, axis=0)

if __name__ == "__main__":
    import jax
    _d = setup_inputs()
    print(jax.jit(kernel)(*tuple(_d.values())))

</pallas_src>

<mosaic_0001>
#map = affine_map<(d0, d1) -> (0)>
#map1 = affine_map<(d0, d1) -> (0, 0, 0)>
module attributes {stable_mosaic.version = 14 : i64} {
  func.func @_sc_gather(%arg0: i32, %arg1: i32, %arg2: memref<128xi32, #tpu.memory_space<hbm>>, %arg3: memref<9216x8x384xf32, #tpu.memory_space<hbm>>, %arg4: memref<18432x8x384xf32, #tpu.memory_space<hbm>>, %arg5: memref<576xi32, #tpu.memory_space<vmem>>, %arg6: memref<576xi32, #tpu.memory_space<vmem>>, %arg7: memref<576xi32, #tpu.memory_space<vmem>>, %arg8: memref<2x16x8x384xf32, #tpu.memory_space<vmem>>, %arg9: memref<!tpu.dma_semaphore, #tpu.memory_space<semaphore_mem>>, %arg10: memref<!tpu.dma_semaphore, #tpu.memory_space<semaphore_mem>>, %arg11: memref<!tpu.dma_semaphore, #tpu.memory_space<semaphore_mem>>, %arg12: memref<!tpu.dma_semaphore, #tpu.memory_space<semaphore_mem>>, %arg13: memref<!tpu.dma_semaphore, #tpu.memory_space<semaphore_mem>>) attributes {dimension_semantics = [#tpu.dimension_semantics<core_parallel>, #tpu.dimension_semantics<subcore_parallel>], iteration_bounds = array<i64: 2, 16>, scalar_prefetch = 0 : i64, scratch_operands = 9 : i64, tpu.core_type = #tpu.core_type<sc_vector_subcore>, window_params = [{transform_indices = #map}, {transform_indices = #map1}, {transform_indices = #map1}]} {
    %mul3A = arith.constant 2 : i32
    %mul3A_0 = arith.muli %arg1, %mul3A : i32
    %add3A = arith.addi %mul3A_0, %arg0 : i32
    %mul3A_1 = arith.constant 576 : i32
    %mul3A_2 = arith.muli %add3A, %mul3A_1 : i32
    %iota3A = tpu.iota {dimensions = array<i32: 0>} : vector<16xi32>
    %scan3A = arith.constant 0 : i32
    %scan3A_3 = arith.constant 0 : i32
    %scan3A_4 = arith.constant 36 : i32
    %scan3A_5 = arith.addi %scan3A_3, %scan3A_4 : i32
    %scan3A_6 = arith.constant 1 : i32
    scf.for %scan3A_344 = %scan3A_3 to %scan3A_5 step %scan3A_6  : i32 {
      %mul3A_345 = arith.constant 16 : i32
      %mul3A_346 = arith.muli %scan3A_344, %mul3A_345 : i32
      %multiple_of3A_347 = tpu.assume_multiple %mul3A_346, 16 : i32
      %mul3A_348 = arith.constant 16 : i32
      %mul3A_349 = arith.muli %scan3A_344, %mul3A_348 : i32
      %add3A_350 = arith.addi %mul3A_2, %mul3A_349 : i32
      %jit3A = arith.constant 144 : i32
      %div3A = arith.divsi %add3A_350, %jit3A : i32
      %sign3A = arith.constant 0 : i32
      %sign3A_351 = arith.cmpi sgt, %add3A_350, %sign3A : i32
      %sign3A_352 = arith.extui %sign3A_351 : i1 to i32
      %sign3A_353 = arith.constant 0 : i32
      %sign3A_354 = arith.cmpi slt, %add3A_350, %sign3A_353 : i32
      %sign3A_355 = arith.extui %sign3A_354 : i1 to i32
      %sign3A_356 = arith.subi %sign3A_352, %sign3A_355 : i32
      %sign3A_357 = arith.constant 0 : i32
      %sign3A_358 = arith.cmpi sgt, %jit3A, %sign3A_357 : i32
      %sign3A_359 = arith.extui %sign3A_358 : i1 to i32
      %sign3A_360 = arith.constant 0 : i32
      %sign3A_361 = arith.cmpi slt, %jit3A, %sign3A_360 : i32
      %sign3A_362 = arith.extui %sign3A_361 : i1 to i32
      %sign3A_363 = arith.subi %sign3A_359, %sign3A_362 : i32
      %ne3A = arith.cmpi ne, %sign3A_356, %sign3A_363 : i32
      %rem3A_364 = arith.remsi %add3A_350, %jit3A : i32
      %ne3A_365 = arith.constant 0 : i32
      %ne3A_366 = arith.cmpi ne, %rem3A_364, %ne3A_365 : i32
      %and3A = arith.andi %ne3A, %ne3A_366 : i1
      %sub3A = arith.constant 1 : i32
      %sub3A_367 = arith.subi %div3A, %sub3A : i32
      %select_n3A = arith.select %and3A, %sub3A_367, %div3A : i32
      %broadcast_in_dim3A = vector.broadcast %select_n3A : i32 to vector<16xi32>
      %swap3A = arith.index_cast %multiple_of3A_347 : i32 to index
      %swap3A_368 = tpu.vector_load %arg5[%swap3A] {strides = array<i32>} : memref<576xi32, #tpu.memory_space<vmem>>, vector<16xi32>,
      %swap3A_369 = vector.shape_cast %swap3A_368 : vector<16xi32> to vector<16xi32>
      %swap3A_370 = vector.shape_cast %broadcast_in_dim3A : vector<16xi32> to vector<16xi32>
      tpu.vector_store %arg5[%swap3A], %swap3A_370 {strides = array<i32>} : memref<576xi32, #tpu.memory_space<vmem>>, vector<16xi32>,
    }
    %scan3A_7 = arith.constant 36 : i32
    %dma_start3A = arith.constant 0 : i32
    %dma_start3A_8 = tpu.memref_slice %arg2[%dma_start3A] : memref<128xi32, #tpu.memory_space<hbm>> -> memref<128xi32, #tpu.memory_space<hbm>>
    tpu.enqueue_indirect_dma source(%dma_start3A_8 : memref<128xi32, #tpu.memory_space<hbm>>) target(%arg6 : memref<576xi32, #tpu.memory_space<vmem>>) offsets(%arg5 : memref<576xi32, #tpu.memory_space<vmem>>) semaphore(%arg9 : memref<!tpu.dma_semaphore, #tpu.memory_space<semaphore_mem>>)
    %dma_wait3A = arith.constant 0 : i32
    %dma_wait3A_9 = tpu.memref_slice %arg2[%dma_wait3A] : memref<128xi32, #tpu.memory_space<hbm>> -> memref<128xi32, #tpu.memory_space<hbm>>
    tpu.wait_indirect_dma semaphore(%arg9 : memref<!tpu.dma_semaphore, #tpu.memory_space<semaphore_mem>>) src(%dma_wait3A_9 : memref<128xi32, #tpu.memory_space<hbm>>) dst(%arg6 : memref<576xi32, #tpu.memory_space<vmem>>)
    %scan3A_10 = arith.constant 0 : i32
    %scan3A_11 = arith.constant 0 : i32
    %scan3A_12 = arith.constant 36 : i32
    %scan3A_13 = arith.addi %scan3A_11, %scan3A_12 : i32
    %scan3A_14 = arith.constant 1 : i32
    scf.for %scan3A_344 = %scan3A_11 to %scan3A_13 step %scan3A_14  : i32 {
      %mul3A_345 = arith.constant 16 : i32
      %mul3A_346 = arith.muli %scan3A_344, %mul3A_345 : i32
      %multiple_of3A_347 = tpu.assume_multiple %mul3A_346, 16 : i32
      %mul3A_348 = arith.constant 16 : i32
      %mul3A_349 = arith.muli %scan3A_344, %mul3A_348 : i32
      %rem3A_350 = arith.constant 144 : i32
      %rem3A_351 = arith.remsi %mul3A_349, %rem3A_350 : i32
      %get3A = arith.index_cast %multiple_of3A_347 : i32 to index
      %get3A_352 = tpu.vector_load %arg6[%get3A] {strides = array<i32>} : memref<576xi32, #tpu.memory_space<vmem>>, vector<16xi32>,
      %get3A_353 = vector.shape_cast %get3A_352 : vector<16xi32> to vector<16xi32>
      %mul3A_354 = arith.constant 144 : i32
      %mul3A_355 = vector.broadcast %mul3A_354 : i32 to vector<16xi32>
      %mul3A_356 = arith.muli %get3A_353, %mul3A_355 : vector<16xi32>
      %add3A_357 = vector.broadcast %rem3A_351 : i32 to vector<16xi32>
      %add3A_358 = arith.addi %add3A_357, %iota3A : vector<16xi32>
      %add3A_359 = arith.addi %mul3A_356, %add3A_358 : vector<16xi32>
      %swap3A = arith.index_cast %multiple_of3A_347 : i32 to index
      %swap3A_360 = tpu.vector_load %arg7[%swap3A] {strides = array<i32>} : memref<576xi32, #tpu.memory_space<vmem>>, vector<16xi32>,
      %swap3A_361 = vector.shape_cast %swap3A_360 : vector<16xi32> to vector<16xi32>
      %swap3A_362 = vector.shape_cast %add3A_359 : vector<16xi32> to vector<16xi32>
      tpu.vector_store %arg7[%swap3A], %swap3A_362 {strides = array<i32>} : memref<576xi32, #tpu.memory_space<vmem>>, vector<16xi32>,
    }
    %scan3A_15 = arith.constant 36 : i32
    %mul3A_16 = arith.constant 7 : i32
    %mul3A_17 = arith.muli %add3A, %mul3A_16 : i32
    %rem3A = arith.constant 36 : i32
    %rem3A_18 = arith.remsi %mul3A_17, %rem3A : i32
    %add3A_19 = arith.constant 0 : i32
    %add3A_20 = arith.addi %add3A_19, %rem3A_18 : i32
    %rem3A_21 = arith.constant 36 : i32
    %rem3A_22 = arith.remsi %add3A_20, %rem3A_21 : i32
    %mul3A_23 = arith.constant 16 : i32
    %mul3A_24 = arith.muli %rem3A_22, %mul3A_23 : i32
    %multiple_of3A = tpu.assume_multiple %mul3A_24, 16 : i32
    %dma_start3A_25 = arith.constant 0 : i32
    %dma_start3A_26 = arith.constant 0 : i32
    %dma_start3A_27 = arith.constant 0 : i32
    %dma_start3A_28 = arith.constant 0 : i32
    %dma_start3A_29 = tpu.memref_slice %arg8[%dma_start3A_25, %dma_start3A_26, %dma_start3A_27, %dma_start3A_28] : memref<2x16x8x384xf32, #tpu.memory_space<vmem>> -> memref<1x16x8x384xf32, #tpu.memory_space<vmem>>
    %dma_start3A_30 = tpu.memref_squeeze %dma_start3A_29 : memref<1x16x8x384xf32, #tpu.memory_space<vmem>> -> memref<16x8x384xf32, #tpu.memory_space<vmem>>
    %dma_start3A_31 = tpu.memref_slice %arg7[%multiple_of3A] : memref<576xi32, #tpu.memory_space<vmem>> -> memref<16xi32, #tpu.memory_space<vmem>>
    %dma_start3A_32 = arith.constant 0 : i32
    %dma_start3A_33 = arith.constant 0 : i32
    %dma_start3A_34 = arith.constant 0 : i32
    %dma_start3A_35 = tpu.memref_slice %arg3[%dma_start3A_32, %dma_start3A_33, %dma_start3A_34] : memref<9216x8x384xf32, #tpu.memory_space<hbm>> -> memref<9216x8x384xf32, #tpu.memory_space<hbm>>
    tpu.enqueue_indirect_dma source(%dma_start3A_35 : memref<9216x8x384xf32, #tpu.memory_space<hbm>>) target(%dma_start3A_30 : memref<16x8x384xf32, #tpu.memory_space<vmem>>) offsets(%dma_start3A_31 : memref<16xi32, #tpu.memory_space<vmem>>) semaphore(%arg10 : memref<!tpu.dma_semaphore, #tpu.memory_space<semaphore_mem>>)
    %dma_wait3A_36 = arith.constant 0 : i32
    %dma_wait3A_37 = arith.constant 0 : i32
    %dma_wait3A_38 = arith.constant 0 : i32
    %dma_wait3A_39 = arith.constant 0 : i32
    %dma_wait3A_40 = tpu.memref_slice %arg8[%dma_wait3A_36, %dma_wait3A_37, %dma_wait3A_38, %dma_wait3A_39] : memref<2x16x8x384xf32, #tpu.memory_space<vmem>> -> memref<1x16x8x384xf32, #tpu.memory_space<vmem>>
    %dma_wait3A_41 = tpu.memref_squeeze %dma_wait3A_40 : memref<1x16x8x384xf32, #tpu.memory_space<vmem>> -> memref<16x8x384xf32, #tpu.memory_space<vmem>>
    %dma_wait3A_42 = arith.constant 0 : i32
    %dma_wait3A_43 = arith.constant 0 : i32
    %dma_wait3A_44 = arith.constant 0 : i32
    %dma_wait3A_45 = tpu.memref_slice %arg3[%dma_wait3A_42, %dma_wait3A_43, %dma_wait3A_44] : memref<9216x8x384xf32, #tpu.memory_space<hbm>> -> memref<16x8x384xf32, #tpu.memory_space<hbm>>
    %dma_wait3A_46 = arith.constant 0 : i32
    %dma_wait3A_47 = arith.constant 0 : i32
    %dma_wait3A_48 = arith.constant 0 : i32
    %dma_wait3A_49 = tpu.memref_slice %arg8[%dma_wait3A_36, %dma_wait3A_46, %dma_wait3A_47, %dma_wait3A_48] : memref<2x16x8x384xf32, #tpu.memory_space<vmem>> -> memref<1x16x8x384xf32, #tpu.memory_space<vmem>>
    %dma_wait3A_50 = tpu.memref_squeeze %dma_wait3A_49 : memref<1x16x8x384xf32, #tpu.memory_space<vmem>> -> memref<16x8x384xf32, #tpu.memory_space<vmem>>
    %dma_wait3A_51 = arith.constant 0 : i32
    %dma_wait3A_52 = arith.constant 0 : i32
    %dma_wait3A_53 = arith.constant 0 : i32
    %dma_wait3A_54 = tpu.memref_slice %arg3[%dma_wait3A_51, %dma_wait3A_52, %dma_wait3A_53] : memref<9216x8x384xf32, #tpu.memory_space<hbm>> -> memref<16x8x384xf32, #tpu.memory_space<hbm>>
    tpu.wait_dma2 semaphore(%arg10 : memref<!tpu.dma_semaphore, #tpu.memory_space<semaphore_mem>>) src(%dma_wait3A_54 : memref<16x8x384xf32, #tpu.memory_space<hbm>>) dst(%dma_wait3A_50 : memref<16x8x384xf32, #tpu.memory_space<vmem>>)
    %add3A_55 = arith.constant 1 : i32
    %add3A_56 = arith.addi %add3A_55, %rem3A_18 : i32
    %rem3A_57 = arith.constant 36 : i32
    %rem3A_58 = arith.remsi %add3A_56, %rem3A_57 : i32
    %mul3A_59 = arith.constant 16 : i32
    %mul3A_60 = arith.muli %rem3A_58, %mul3A_59 : i32
    %multiple_of3A_61 = tpu.assume_multiple %mul3A_60, 16 : i32
    %dma_start3A_62 = arith.constant 1 : i32
    %dma_start3A_63 = arith.constant 0 : i32
    %dma_start3A_64 = arith.constant 0 : i32
    %dma_start3A_65 = arith.constant 0 : i32
    %dma_start3A_66 = tpu.memref_slice %arg8[%dma_start3A_62, %dma_start3A_63, %dma_start3A_64, %dma_start3A_65] : memref<2x16x8x384xf32, #tpu.memory_space<vmem>> -> memref<1x16x8x384xf32, #tpu.memory_space<vmem>>
    %dma_start3A_67 = tpu.memref_squeeze %dma_start3A_66 : memref<1x16x8x384xf32, #tpu.memory_space<vmem>> -> memref<16x8x384xf32, #tpu.memory_space<vmem>>
    %dma_start3A_68 = tpu.memref_slice %arg7[%multiple_of3A_61] : memref<576xi32, #tpu.memory_space<vmem>> -> memref<16xi32, #tpu.memory_space<vmem>>
    %dma_start3A_69 = arith.constant 0 : i32
    %dma_start3A_70 = arith.constant 0 : i32
    %dma_start3A_71 = arith.constant 0 : i32
    %dma_start3A_72 = tpu.memref_slice %arg3[%dma_start3A_69, %dma_start3A_70, %dma_start3A_71] : memref<9216x8x384xf32, #tpu.memory_space<hbm>> -> memref<9216x8x384xf32, #tpu.memory_space<hbm>>
    tpu.enqueue_indirect_dma source(%dma_start3A_72 : memref<9216x8x384xf32, #tpu.memory_space<hbm>>) target(%dma_start3A_67 : memref<16x8x384xf32, #tpu.memory_space<vmem>>) offsets(%dma_start3A_68 : memref<16xi32, #tpu.memory_space<vmem>>) semaphore(%arg11 : memref<!tpu.dma_semaphore, #tpu.memory_space<semaphore_mem>>)
    %add3A_73 = arith.constant 0 : i32
    %add3A_74 = arith.addi %add3A_73, %rem3A_18 : i32
    %rem3A_75 = arith.constant 36 : i32
    %rem3A_76 = arith.remsi %add3A_74, %rem3A_75 : i32
    %mul3A_77 = arith.constant 16 : i32
    %mul3A_78 = arith.muli %rem3A_76, %mul3A_77 : i32
    %add3A_79 = arith.addi %mul3A_2, %mul3A_78 : i32
    %dma_start3A_80 = arith.constant 0 : i32
    %dma_start3A_81 = arith.constant 0 : i32
    %dma_start3A_82 = arith.constant 0 : i32
    %dma_start3A_83 = arith.constant 0 : i32
    %dma_start3A_84 = tpu.memref_slice %arg8[%dma_start3A_80, %dma_start3A_81, %dma_start3A_82, %dma_start3A_83] : memref<2x16x8x384xf32, #tpu.memory_space<vmem>> -> memref<1x16x8x384xf32, #tpu.memory_space<vmem>>
    %dma_start3A_85 = tpu.memref_squeeze %dma_start3A_84 : memref<1x16x8x384xf32, #tpu.memory_space<vmem>> -> memref<16x8x384xf32, #tpu.memory_space<vmem>>
    %dma_start3A_86 = arith.constant 0 : i32
    %dma_start3A_87 = arith.constant 0 : i32
    %dma_start3A_88 = tpu.memref_slice %arg4[%add3A_79, %dma_start3A_86, %dma_start3A_87] : memref<18432x8x384xf32, #tpu.memory_space<hbm>> -> memref<16x8x384xf32, #tpu.memory_space<hbm>>
    %dma_start3A_89 = arith.constant 0 : i32
    %dma_start3A_90 = arith.constant 0 : i32
    %dma_start3A_91 = tpu.memref_slice %arg4[%add3A_79, %dma_start3A_89, %dma_start3A_90] : memref<18432x8x384xf32, #tpu.memory_space<hbm>> -> memref<16x8x384xf32, #tpu.memory_space<hbm>>
    %dma_start3A_92 = arith.constant 0 : i32
    %dma_start3A_93 = arith.constant 0 : i32
    %dma_start3A_94 = arith.constant 0 : i32
    %dma_start3A_95 = tpu.memref_slice %arg8[%dma_start3A_80, %dma_start3A_92, %dma_start3A_93, %dma_start3A_94] : memref<2x16x8x384xf32, #tpu.memory_space<vmem>> -> memref<1x16x8x384xf32, #tpu.memory_space<vmem>>
    %dma_start3A_96 = tpu.memref_squeeze %dma_start3A_95 : memref<1x16x8x384xf32, #tpu.memory_space<vmem>> -> memref<16x8x384xf32, #tpu.memory_space<vmem>>
    tpu.enqueue_dma source(%dma_start3A_96 : memref<16x8x384xf32, #tpu.memory_space<vmem>>) target(%dma_start3A_91 : memref<16x8x384xf32, #tpu.memory_space<hbm>>) target_semaphore(%arg12 : memref<!tpu.dma_semaphore, #tpu.memory_space<semaphore_mem>>)
    %dma_wait3A_97 = arith.constant 1 : i32
    %dma_wait3A_98 = arith.constant 0 : i32
    %dma_wait3A_99 = arith.constant 0 : i32
    %dma_wait3A_100 = arith.constant 0 : i32
    %dma_wait3A_101 = tpu.memref_slice %arg8[%dma_wait3A_97, %dma_wait3A_98, %dma_wait3A_99, %dma_wait3A_100] : memref<2x16x8x384xf32, #tpu.memory_space<vmem>> -> memref<1x16x8x384xf32, #tpu.memory_space<vmem>>
    %dma_wait3A_102 = tpu.memref_squeeze %dma_wait3A_101 : memref<1x16x8x384xf32, #tpu.memory_space<vmem>> -> memref<16x8x384xf32, #tpu.memory_space<vmem>>
    %dma_wait3A_103 = arith.constant 0 : i32
    %dma_wait3A_104 = arith.constant 0 : i32
    %dma_wait3A_105 = arith.constant 0 : i32
    %dma_wait3A_106 = tpu.memref_slice %arg3[%dma_wait3A_103, %dma_wait3A_104, %dma_wait3A_105] : memref<9216x8x384xf32, #tpu.memory_space<hbm>> -> memref<16x8x384xf32, #tpu.memory_space<hbm>>
    %dma_wait3A_107 = arith.constant 0 : i32
    %dma_wait3A_108 = arith.constant 0 : i32
    %dma_wait3A_109 = arith.constant 0 : i32
    %dma_wait3A_110 = tpu.memref_slice %arg8[%dma_wait3A_97, %dma_wait3A_107, %dma_wait3A_108, %dma_wait3A_109] : memref<2x16x8x384xf32, #tpu.memory_space<vmem>> -> memref<1x16x8x384xf32, #tpu.memory_space<vmem>>
    %dma_wait3A_111 = tpu.memref_squeeze %dma_wait3A_110 : memref<1x16x8x384xf32, #tpu.memory_space<vmem>> -> memref<16x8x384xf32, #tpu.memory_space<vmem>>
    %dma_wait3A_112 = arith.constant 0 : i32
    %dma_wait3A_113 = arith.constant 0 : i32
    %dma_wait3A_114 = arith.constant 0 : i32
    %dma_wait3A_115 = tpu.memref_slice %arg3[%dma_wait3A_112, %dma_wait3A_113, %dma_wait3A_114] : memref<9216x8x384xf32, #tpu.memory_space<hbm>> -> memref<16x8x384xf32, #tpu.memory_space<hbm>>
    tpu.wait_dma2 semaphore(%arg11 : memref<!tpu.dma_semaphore, #tpu.memory_space<semaphore_mem>>) src(%dma_wait3A_115 : memref<16x8x384xf32, #tpu.memory_space<hbm>>) dst(%dma_wait3A_111 : memref<16x8x384xf32, #tpu.memory_space<vmem>>)
    %dma_wait3A_116 = arith.constant 0 : i32
    %dma_wait3A_117 = arith.constant 0 : i32
    %dma_wait3A_118 = arith.constant 0 : i32
    %dma_wait3A_119 = arith.constant 0 : i32
    %dma_wait3A_120 = tpu.memref_slice %arg8[%dma_wait3A_116, %dma_wait3A_117, %dma_wait3A_118, %dma_wait3A_119] : memref<2x16x8x384xf32, #tpu.memory_space<vmem>> -> memref<1x16x8x384xf32, #tpu.memory_space<vmem>>
    %dma_wait3A_121 = tpu.memref_squeeze %dma_wait3A_120 : memref<1x16x8x384xf32, #tpu.memory_space<vmem>> -> memref<16x8x384xf32, #tpu.memory_space<vmem>>
    %dma_wait3A_122 = arith.constant 0 : i32
    %dma_wait3A_123 = arith.constant 0 : i32
    %dma_wait3A_124 = arith.constant 0 : i32
    %dma_wait3A_125 = tpu.memref_slice %arg4[%dma_wait3A_122, %dma_wait3A_123, %dma_wait3A_124] : memref<18432x8x384xf32, #tpu.memory_space<hbm>> -> memref<16x8x384xf32, #tpu.memory_space<hbm>>
    %dma_wait3A_126 = arith.constant 0 : i32
    %dma_wait3A_127 = arith.constant 0 : i32
    %dma_wait3A_128 = arith.constant 0 : i32
    %dma_wait3A_129 = tpu.memref_slice %arg4[%dma_wait3A_126, %dma_wait3A_127, %dma_wait3A_128] : memref<18432x8x384xf32, #tpu.memory_space<hbm>> -> memref<16x8x384xf32, #tpu.memory_space<hbm>>
    %dma_wait3A_130 = arith.constant 0 : i32
    %dma_wait3A_131 = arith.constant 0 : i32
    %dma_wait3A_132 = arith.constant 0 : i32
    %dma_wait3A_133 = tpu.memref_slice %arg8[%dma_wait3A_116, %dma_wait3A_130, %dma_wait3A_131, %dma_wait3A_132] : memref<2x16x8x384xf32, #tpu.memory_space<vmem>> -> memref<1x16x8x384xf32, #tpu.memory_space<vmem>>
    %dma_wait3A_134 = tpu.memref_squeeze %dma_wait3A_133 : memref<1x16x8x384xf32, #tpu.memory_space<vmem>> -> memref<16x8x384xf32, #tpu.memory_space<vmem>>
    tpu.wait_dma2 semaphore(%arg12 : memref<!tpu.dma_semaphore, #tpu.memory_space<semaphore_mem>>) src(%dma_wait3A_134 : memref<16x8x384xf32, #tpu.memory_space<vmem>>) dst(%dma_wait3A_129 : memref<16x8x384xf32, #tpu.memory_space<hbm>>)
    %add3A_135 = arith.constant 2 : i32
    %add3A_136 = arith.addi %add3A_135, %rem3A_18 : i32
    %rem3A_137 = arith.constant 36 : i32
    %rem3A_138 = arith.remsi %add3A_136, %rem3A_137 : i32
    %mul3A_139 = arith.constant 16 : i32
    %mul3A_140 = arith.muli %rem3A_138, %mul3A_139 : i32
    %multiple_of3A_141 = tpu.assume_multiple %mul3A_140, 16 : i32
    %dma_start3A_142 = arith.constant 0 : i32
    %dma_start3A_143 = arith.constant 0 : i32
    %dma_start3A_144 = arith.constant 0 : i32
    %dma_start3A_145 = arith.constant 0 : i32
    %dma_start3A_146 = tpu.memref_slice %arg8[%dma_start3A_142, %dma_start3A_143, %dma_start3A_144, %dma_start3A_145] : memref<2x16x8x384xf32, #tpu.memory_space<vmem>> -> memref<1x16x8x384xf32, #tpu.memory_space<vmem>>
    %dma_start3A_147 = tpu.memref_squeeze %dma_start3A_146 : memref<1x16x8x384xf32, #tpu.memory_space<vmem>> -> memref<16x8x384xf32, #tpu.memory_space<vmem>>
    %dma_start3A_148 = tpu.memref_slice %arg7[%multiple_of3A_141] : memref<576xi32, #tpu.memory_space<vmem>> -> memref<16xi32, #tpu.memory_space<vmem>>
    %dma_start3A_149 = arith.constant 0 : i32
    %dma_start3A_150 = arith.constant 0 : i32
    %dma_start3A_151 = arith.constant 0 : i32
    %dma_start3A_152 = tpu.memref_slice %arg3[%dma_start3A_149, %dma_start3A_150, %dma_start3A_151] : memref<9216x8x384xf32, #tpu.memory_space<hbm>> -> memref<9216x8x384xf32, #tpu.memory_space<hbm>>
    tpu.enqueue_indirect_dma source(%dma_start3A_152 : memref<9216x8x384xf32, #tpu.memory_space<hbm>>) target(%dma_start3A_147 : memref<16x8x384xf32, #tpu.memory_space<vmem>>) offsets(%dma_start3A_148 : memref<16xi32, #tpu.memory_space<vmem>>) semaphore(%arg10 : memref<!tpu.dma_semaphore, #tpu.memory_space<semaphore_mem>>)
    %add3A_153 = arith.constant 1 : i32
    %add3A_154 = arith.addi %add3A_153, %rem3A_18 : i32
    %rem3A_155 = arith.constant 36 : i32
    %rem3A_156 = arith.remsi %add3A_154, %rem3A_155 : i32
    %mul3A_157 = arith.constant 16 : i32
    %mul3A_158 = arith.muli %rem3A_156, %mul3A_157 : i32
    %add3A_159 = arith.addi %mul3A_2, %mul3A_158 : i32
    %dma_start3A_160 = arith.constant 1 : i32
    %dma_start3A_161 = arith.constant 0 : i32
    %dma_start3A_162 = arith.constant 0 : i32
    %dma_start3A_163 = arith.constant 0 : i32
    %dma_start3A_164 = tpu.memref_slice %arg8[%dma_start3A_160, %dma_start3A_161, %dma_start3A_162, %dma_start3A_163] : memref<2x16x8x384xf32, #tpu.memory_space<vmem>> -> memref<1x16x8x384xf32, #tpu.memory_space<vmem>>
    %dma_start3A_165 = tpu.memref_squeeze %dma_start3A_164 : memref<1x16x8x384xf32, #tpu.memory_space<vmem>> -> memref<16x8x384xf32, #tpu.memory_space<vmem>>
    %dma_start3A_166 = arith.constant 0 : i32
    %dma_start3A_167 = arith.constant 0 : i32
    %dma_start3A_168 = tpu.memref_slice %arg4[%add3A_159, %dma_start3A_166, %dma_start3A_167] : memref<18432x8x384xf32, #tpu.memory_space<hbm>> -> memref<16x8x384xf32, #tpu.memory_space<hbm>>
    %dma_start3A_169 = arith.constant 0 : i32
    %dma_start3A_170 = arith.constant 0 : i32
    %dma_start3A_171 = tpu.memref_slice %arg4[%add3A_159, %dma_start3A_169, %dma_start3A_170] : memref<18432x8x384xf32, #tpu.memory_space<hbm>> -> memref<16x8x384xf32, #tpu.memory_space<hbm>>
    %dma_start3A_172 = arith.constant 0 : i32
    %dma_start3A_173 = arith.constant 0 : i32
    %dma_start3A_174 = arith.constant 0 : i32
    %dma_start3A_175 = tpu.memref_slice %arg8[%dma_start3A_160, %dma_start3A_172, %dma_start3A_173, %dma_start3A_174] : memref<2x16x8x384xf32, #tpu.memory_space<vmem>> -> memref<1x16x8x384xf32, #tpu.memory_space<vmem>>
    %dma_start3A_176 = tpu.memref_squeeze %dma_start3A_175 : memref<1x16x8x384xf32, #tpu.memory_space<vmem>> -> memref<16x8x384xf32, #tpu.memory_space<vmem>>
    tpu.enqueue_dma source(%dma_start3A_176 : memref<16x8x384xf32, #tpu.memory_space<vmem>>) target(%dma_start3A_171 : memref<16x8x384xf32, #tpu.memory_space<hbm>>) target_semaphore(%arg13 : memref<!tpu.dma_semaphore, #tpu.memory_space<semaphore_mem>>)
    %scan3A_177 = arith.constant 0 : i32
    %scan3A_178 = arith.constant 1 : i32
    %scan3A_179 = arith.constant 16 : i32
    %scan3A_180 = arith.addi %scan3A_178, %scan3A_179 : i32
    %scan3A_181 = arith.constant 1 : i32
    scf.for %scan3A_344 = %scan3A_178 to %scan3A_180 step %scan3A_181  : i32 {
      %mul3A_345 = arith.constant 2 : i32
      %mul3A_346 = arith.muli %scan3A_344, %mul3A_345 : i32
      %add3A_347 = arith.constant 0 : i32
      %add3A_348 = arith.addi %mul3A_346, %add3A_347 : i32
      %dma_wait3A_349 = arith.constant 0 : i32
      %dma_wait3A_350 = arith.constant 0 : i32
      %dma_wait3A_351 = arith.constant 0 : i32
      %dma_wait3A_352 = arith.constant 0 : i32
      %dma_wait3A_353 = tpu.memref_slice %arg8[%dma_wait3A_349, %dma_wait3A_350, %dma_wait3A_351, %dma_wait3A_352] : memref<2x16x8x384xf32, #tpu.memory_space<vmem>> -> memref<1x16x8x384xf32, #tpu.memory_space<vmem>>
      %dma_wait3A_354 = tpu.memref_squeeze %dma_wait3A_353 : memref<1x16x8x384xf32, #tpu.memory_space<vmem>> -> memref<16x8x384xf32, #tpu.memory_space<vmem>>
      %dma_wait3A_355 = arith.constant 0 : i32
      %dma_wait3A_356 = arith.constant 0 : i32
      %dma_wait3A_357 = arith.constant 0 : i32
      %dma_wait3A_358 = tpu.memref_slice %arg3[%dma_wait3A_355, %dma_wait3A_356, %dma_wait3A_357] : memref<9216x8x384xf32, #tpu.memory_space<hbm>> -> memref<16x8x384xf32, #tpu.memory_space<hbm>>
      %dma_wait3A_359 = arith.constant 0 : i32
      %dma_wait3A_360 = arith.constant 0 : i32
      %dma_wait3A_361 = arith.constant 0 : i32
      %dma_wait3A_362 = tpu.memref_slice %arg8[%dma_wait3A_349, %dma_wait3A_359, %dma_wait3A_360, %dma_wait3A_361] : memref<2x16x8x384xf32, #tpu.memory_space<vmem>> -> memref<1x16x8x384xf32, #tpu.memory_space<vmem>>
      %dma_wait3A_363 = tpu.memref_squeeze %dma_wait3A_362 : memref<1x16x8x384xf32, #tpu.memory_space<vmem>> -> memref<16x8x384xf32, #tpu.memory_space<vmem>>
      %dma_wait3A_364 = arith.constant 0 : i32
      %dma_wait3A_365 = arith.constant 0 : i32
      %dma_wait3A_366 = arith.constant 0 : i32
      %dma_wait3A_367 = tpu.memref_slice %arg3[%dma_wait3A_364, %dma_wait3A_365, %dma_wait3A_366] : memref<9216x8x384xf32, #tpu.memory_space<hbm>> -> memref<16x8x384xf32, #tpu.memory_space<hbm>>
      tpu.wait_dma2 semaphore(%arg10 : memref<!tpu.dma_semaphore, #tpu.memory_space<semaphore_mem>>) src(%dma_wait3A_367 : memref<16x8x384xf32, #tpu.memory_space<hbm>>) dst(%dma_wait3A_363 : memref<16x8x384xf32, #tpu.memory_space<vmem>>)
      %dma_wait3A_368 = arith.constant 1 : i32
      %dma_wait3A_369 = arith.constant 0 : i32
      %dma_wait3A_370 = arith.constant 0 : i32
      %dma_wait3A_371 = arith.constant 0 : i32
      %dma_wait3A_372 = tpu.memref_slice %arg8[%dma_wait3A_368, %dma_wait3A_369, %dma_wait3A_370, %dma_wait3A_371] : memref<2x16x8x384xf32, #tpu.memory_space<vmem>> -> memref<1x16x8x384xf32, #tpu.memory_space<vmem>>
      %dma_wait3A_373 = tpu.memref_squeeze %dma_wait3A_372 : memref<1x16x8x384xf32, #tpu.memory_space<vmem>> -> memref<16x8x384xf32, #tpu.memory_space<vmem>>
      %dma_wait3A_374 = arith.constant 0 : i32
      %dma_wait3A_375 = arith.constant 0 : i32
      %dma_wait3A_376 = arith.constant 0 : i32
      %dma_wait3A_377 = tpu.memref_slice %arg4[%dma_wait3A_374, %dma_wait3A_375, %dma_wait3A_376] : memref<18432x8x384xf32, #tpu.memory_space<hbm>> -> memref<16x8x384xf32, #tpu.memory_space<hbm>>
      %dma_wait3A_378 = arith.constant 0 : i32
      %dma_wait3A_379 = arith.constant 0 : i32
      %dma_wait3A_380 = arith.constant 0 : i32
      %dma_wait3A_381 = tpu.memref_slice %arg4[%dma_wait3A_378, %dma_wait3A_379, %dma_wait3A_380] : memref<18432x8x384xf32, #tpu.memory_space<hbm>> -> memref<16x8x384xf32, #tpu.memory_space<hbm>>
      %dma_wait3A_382 = arith.constant 0 : i32
      %dma_wait3A_383 = arith.constant 0 : i32
      %dma_wait3A_384 = arith.constant 0 : i32
      %dma_wait3A_385 = tpu.memref_slice %arg8[%dma_wait3A_368, %dma_wait3A_382, %dma_wait3A_383, %dma_wait3A_384] : memref<2x16x8x384xf32, #tpu.memory_space<vmem>> -> memref<1x16x8x384xf32, #tpu.memory_space<vmem>>
      %dma_wait3A_386 = tpu.memref_squeeze %dma_wait3A_385 : memref<1x16x8x384xf32, #tpu.memory_space<vmem>> -> memref<16x8x384xf32, #tpu.memory_space<vmem>>
      tpu.wait_dma2 semaphore(%arg13 : memref<!tpu.dma_semaphore, #tpu.memory_space<semaphore_mem>>) src(%dma_wait3A_386 : memref<16x8x384xf32, #tpu.memory_space<vmem>>) dst(%dma_wait3A_381 : memref<16x8x384xf32, #tpu.memory_space<hbm>>)
      %add3A_387 = arith.constant 1 : i32
      %add3A_388 = arith.addi %add3A_348, %add3A_387 : i32
      %add3A_389 = arith.addi %add3A_388, %rem3A_18 : i32
      %rem3A_390 = arith.constant 36 : i32
      %rem3A_391 = arith.remsi %add3A_389, %rem3A_390 : i32
      %mul3A_392 = arith.constant 16 : i32
      %mul3A_393 = arith.muli %rem3A_391, %mul3A_392 : i32
      %multiple_of3A_394 = tpu.assume_multiple %mul3A_393, 16 : i32
      %dma_start3A_395 = arith.constant 1 : i32
      %dma_start3A_396 = arith.constant 0 : i32
      %dma_start3A_397 = arith.constant 0 : i32
      %dma_start3A_398 = arith.constant 0 : i32
      %dma_start3A_399 = tpu.memref_slice %arg8[%dma_start3A_395, %dma_start3A_396, %dma_start3A_397, %dma_start3A_398] : memref<2x16x8x384xf32, #tpu.memory_space<vmem>> -> memref<1x16x8x384xf32, #tpu.memory_space<vmem>>
      %dma_start3A_400 = tpu.memref_squeeze %dma_start3A_399 : memref<1x16x8x384xf32, #tpu.memory_space<vmem>> -> memref<16x8x384xf32, #tpu.memory_space<vmem>>
      %dma_start3A_401 = tpu.memref_slice %arg7[%multiple_of3A_394] : memref<576xi32, #tpu.memory_space<vmem>> -> memref<16xi32, #tpu.memory_space<vmem>>
      %dma_start3A_402 = arith.constant 0 : i32
      %dma_start3A_403 = arith.constant 0 : i32
      %dma_start3A_404 = arith.constant 0 : i32
      %dma_start3A_405 = tpu.memref_slice %arg3[%dma_start3A_402, %dma_start3A_403, %dma_start3A_404] : memref<9216x8x384xf32, #tpu.memory_space<hbm>> -> memref<9216x8x384xf32, #tpu.memory_space<hbm>>
      tpu.enqueue_indirect_dma source(%dma_start3A_405 : memref<9216x8x384xf32, #tpu.memory_space<hbm>>) target(%dma_start3A_400 : memref<16x8x384xf32, #tpu.memory_space<vmem>>) offsets(%dma_start3A_401 : memref<16xi32, #tpu.memory_space<vmem>>) semaphore(%arg11 : memref<!tpu.dma_semaphore, #tpu.memory_space<semaphore_mem>>)
      %add3A_406 = arith.addi %add3A_348, %rem3A_18 : i32
      %rem3A_407 = arith.constant 36 : i32
      %rem3A_408 = arith.remsi %add3A_406, %rem3A_407 : i32
      %mul3A_409 = arith.constant 16 : i32
      %mul3A_410 = arith.muli %rem3A_408, %mul3A_409 : i32
      %add3A_411 = arith.addi %mul3A_2, %mul3A_410 : i32
      %dma_start3A_412 = arith.constant 0 : i32
      %dma_start3A_413 = arith.constant 0 : i32
      %dma_start3A_414 = arith.constant 0 : i32
      %dma_start3A_415 = arith.constant 0 : i32
      %dma_start3A_416 = tpu.memref_slice %arg8[%dma_start3A_412, %dma_start3A_413, %dma_start3A_414, %dma_start3A_415] : memref<2x16x8x384xf32, #tpu.memory_space<vmem>> -> memref<1x16x8x384xf32, #tpu.memory_space<vmem>>
      %dma_start3A_417 = tpu.memref_squeeze %dma_start3A_416 : memref<1x16x8x384xf32, #tpu.memory_space<vmem>> -> memref<16x8x384xf32, #tpu.memory_space<vmem>>
      %dma_start3A_418 = arith.constant 0 : i32
      %dma_start3A_419 = arith.constant 0 : i32
      %dma_start3A_420 = tpu.memref_slice %arg4[%add3A_411, %dma_start3A_418, %dma_start3A_419] : memref<18432x8x384xf32, #tpu.memory_space<hbm>> -> memref<16x8x384xf32, #tpu.memory_space<hbm>>
      %dma_start3A_421 = arith.constant 0 : i32
      %dma_start3A_422 = arith.constant 0 : i32
      %dma_start3A_423 = tpu.memref_slice %arg4[%add3A_411, %dma_start3A_421, %dma_start3A_422] : memref<18432x8x384xf32, #tpu.memory_space<hbm>> -> memref<16x8x384xf32, #tpu.memory_space<hbm>>
      %dma_start3A_424 = arith.constant 0 : i32
      %dma_start3A_425 = arith.constant 0 : i32
      %dma_start3A_426 = arith.constant 0 : i32
      %dma_start3A_427 = tpu.memref_slice %arg8[%dma_start3A_412, %dma_start3A_424, %dma_start3A_425, %dma_start3A_426] : memref<2x16x8x384xf32, #tpu.memory_space<vmem>> -> memref<1x16x8x384xf32, #tpu.memory_space<vmem>>
      %dma_start3A_428 = tpu.memref_squeeze %dma_start3A_427 : memref<1x16x8x384xf32, #tpu.memory_space<vmem>> -> memref<16x8x384xf32, #tpu.memory_space<vmem>>
      tpu.enqueue_dma source(%dma_start3A_428 : memref<16x8x384xf32, #tpu.memory_space<vmem>>) target(%dma_start3A_423 : memref<16x8x384xf32, #tpu.memory_space<hbm>>) target_semaphore(%arg12 : memref<!tpu.dma_semaphore, #tpu.memory_space<semaphore_mem>>)
      %mul3A_429 = arith.constant 2 : i32
      %mul3A_430 = arith.muli %scan3A_344, %mul3A_429 : i32
      %add3A_431 = arith.constant 1 : i32
      %add3A_432 = arith.addi %mul3A_430, %add3A_431 : i32
      %dma_wait3A_433 = arith.constant 1 : i32
      %dma_wait3A_434 = arith.constant 0 : i32
      %dma_wait3A_435 = arith.constant 0 : i32
      %dma_wait3A_436 = arith.constant 0 : i32
      %dma_wait3A_437 = tpu.memref_slice %arg8[%dma_wait3A_433, %dma_wait3A_434, %dma_wait3A_435, %dma_wait3A_436] : memref<2x16x8x384xf32, #tpu.memory_space<vmem>> -> memref<1x16x8x384xf32, #tpu.memory_space<vmem>>
      %dma_wait3A_438 = tpu.memref_squeeze %dma_wait3A_437 : memref<1x16x8x384xf32, #tpu.memory_space<vmem>> -> memref<16x8x384xf32, #tpu.memory_space<vmem>>
      %dma_wait3A_439 = arith.constant 0 : i32
      %dma_wait3A_440 = arith.constant 0 : i32
      %dma_wait3A_441 = arith.constant 0 : i32
      %dma_wait3A_442 = tpu.memref_slice %arg3[%dma_wait3A_439, %dma_wait3A_440, %dma_wait3A_441] : memref<9216x8x384xf32, #tpu.memory_space<hbm>> -> memref<16x8x384xf32, #tpu.memory_space<hbm>>
      %dma_wait3A_443 = arith.constant 0 : i32
      %dma_wait3A_444 = arith.constant 0 : i32
      %dma_wait3A_445 = arith.constant 0 : i32
      %dma_wait3A_446 = tpu.memref_slice %arg8[%dma_wait3A_433, %dma_wait3A_443, %dma_wait3A_444, %dma_wait3A_445] : memref<2x16x8x384xf32, #tpu.memory_space<vmem>> -> memref<1x16x8x384xf32, #tpu.memory_space<vmem>>
      %dma_wait3A_447 = tpu.memref_squeeze %dma_wait3A_446 : memref<1x16x8x384xf32, #tpu.memory_space<vmem>> -> memref<16x8x384xf32, #tpu.memory_space<vmem>>
      %dma_wait3A_448 = arith.constant 0 : i32
      %dma_wait3A_449 = arith.constant 0 : i32
      %dma_wait3A_450 = arith.constant 0 : i32
      %dma_wait3A_451 = tpu.memref_slice %arg3[%dma_wait3A_448, %dma_wait3A_449, %dma_wait3A_450] : memref<9216x8x384xf32, #tpu.memory_space<hbm>> -> memref<16x8x384xf32, #tpu.memory_space<hbm>>
      tpu.wait_dma2 semaphore(%arg11 : memref<!tpu.dma_semaphore, #tpu.memory_space<semaphore_mem>>) src(%dma_wait3A_451 : memref<16x8x384xf32, #tpu.memory_space<hbm>>) dst(%dma_wait3A_447 : memref<16x8x384xf32, #tpu.memory_space<vmem>>)
      %dma_wait3A_452 = arith.constant 0 : i32
      %dma_wait3A_453 = arith.constant 0 : i32
      %dma_wait3A_454 = arith.constant 0 : i32
      %dma_wait3A_455 = arith.constant 0 : i32
      %dma_wait3A_456 = tpu.memref_slice %arg8[%dma_wait3A_452, %dma_wait3A_453, %dma_wait3A_454, %dma_wait3A_455] : memref<2x16x8x384xf32, #tpu.memory_space<vmem>> -> memref<1x16x8x384xf32, #tpu.memory_space<vmem>>
      %dma_wait3A_457 = tpu.memref_squeeze %dma_wait3A_456 : memref<1x16x8x384xf32, #tpu.memory_space<vmem>> -> memref<16x8x384xf32, #tpu.memory_space<vmem>>
      %dma_wait3A_458 = arith.constant 0 : i32
      %dma_wait3A_459 = arith.constant 0 : i32
      %dma_wait3A_460 = arith.constant 0 : i32
      %dma_wait3A_461 = tpu.memref_slice %arg4[%dma_wait3A_458, %dma_wait3A_459, %dma_wait3A_460] : memref<18432x8x384xf32, #tpu.memory_space<hbm>> -> memref<16x8x384xf32, #tpu.memory_space<hbm>>
      %dma_wait3A_462 = arith.constant 0 : i32
      %dma_wait3A_463 = arith.constant 0 : i32
      %dma_wait3A_464 = arith.constant 0 : i32
      %dma_wait3A_465 = tpu.memref_slice %arg4[%dma_wait3A_462, %dma_wait3A_463, %dma_wait3A_464] : memref<18432x8x384xf32, #tpu.memory_space<hbm>> -> memref<16x8x384xf32, #tpu.memory_space<hbm>>
      %dma_wait3A_466 = arith.constant 0 : i32
      %dma_wait3A_467 = arith.constant 0 : i32
      %dma_wait3A_468 = arith.constant 0 : i32
      %dma_wait3A_469 = tpu.memref_slice %arg8[%dma_wait3A_452, %dma_wait3A_466, %dma_wait3A_467, %dma_wait3A_468] : memref<2x16x8x384xf32, #tpu.memory_space<vmem>> -> memref<1x16x8x384xf32, #tpu.memory_space<vmem>>
      %dma_wait3A_470 = tpu.memref_squeeze %dma_wait3A_469 : memref<1x16x8x384xf32, #tpu.memory_space<vmem>> -> memref<16x8x384xf32, #tpu.memory_space<vmem>>
      tpu.wait_dma2 semaphore(%arg12 : memref<!tpu.dma_semaphore, #tpu.memory_space<semaphore_mem>>) src(%dma_wait3A_470 : memref<16x8x384xf32, #tpu.memory_space<vmem>>) dst(%dma_wait3A_465 : memref<16x8x384xf32, #tpu.memory_space<hbm>>)
      %add3A_471 = arith.constant 1 : i32
      %add3A_472 = arith.addi %add3A_432, %add3A_471 : i32
      %add3A_473 = arith.addi %add3A_472, %rem3A_18 : i32
      %rem3A_474 = arith.constant 36 : i32
      %rem3A_475 = arith.remsi %add3A_473, %rem3A_474 : i32
      %mul3A_476 = arith.constant 16 : i32
      %mul3A_477 = arith.muli %rem3A_475, %mul3A_476 : i32
      %multiple_of3A_478 = tpu.assume_multiple %mul3A_477, 16 : i32
      %dma_start3A_479 = arith.constant 0 : i32
      %dma_start3A_480 = arith.constant 0 : i32
      %dma_start3A_481 = arith.constant 0 : i32
      %dma_start3A_482 = arith.constant 0 : i32
      %dma_start3A_483 = tpu.memref_slice %arg8[%dma_start3A_479, %dma_start3A_480, %dma_start3A_481, %dma_start3A_482] : memref<2x16x8x384xf32, #tpu.memory_space<vmem>> -> memref<1x16x8x384xf32, #tpu.memory_space<vmem>>
      %dma_start3A_484 = tpu.memref_squeeze %dma_start3A_483 : memref<1x16x8x384xf32, #tpu.memory_space<vmem>> -> memref<16x8x384xf32, #tpu.memory_space<vmem>>
      %dma_start3A_485 = tpu.memref_slice %arg7[%multiple_of3A_478] : memref<576xi32, #tpu.memory_space<vmem>> -> memref<16xi32, #tpu.memory_space<vmem>>
      %dma_start3A_486 = arith.constant 0 : i32
      %dma_start3A_487 = arith.constant 0 : i32
      %dma_start3A_488 = arith.constant 0 : i32
      %dma_start3A_489 = tpu.memref_slice %arg3[%dma_start3A_486, %dma_start3A_487, %dma_start3A_488] : memref<9216x8x384xf32, #tpu.memory_space<hbm>> -> memref<9216x8x384xf32, #tpu.memory_space<hbm>>
      tpu.enqueue_indirect_dma source(%dma_start3A_489 : memref<9216x8x384xf32, #tpu.memory_space<hbm>>) target(%dma_start3A_484 : memref<16x8x384xf32, #tpu.memory_space<vmem>>) offsets(%dma_start3A_485 : memref<16xi32, #tpu.memory_space<vmem>>) semaphore(%arg10 : memref<!tpu.dma_semaphore, #tpu.memory_space<semaphore_mem>>)
      %add3A_490 = arith.addi %add3A_432, %rem3A_18 : i32
      %rem3A_491 = arith.constant 36 : i32
      %rem3A_492 = arith.remsi %add3A_490, %rem3A_491 : i32
      %mul3A_493 = arith.constant 16 : i32
      %mul3A_494 = arith.muli %rem3A_492, %mul3A_493 : i32
      %add3A_495 = arith.addi %mul3A_2, %mul3A_494 : i32
      %dma_start3A_496 = arith.constant 1 : i32
      %dma_start3A_497 = arith.constant 0 : i32
      %dma_start3A_498 = arith.constant 0 : i32
      %dma_start3A_499 = arith.constant 0 : i32
      %dma_start3A_500 = tpu.memref_slice %arg8[%dma_start3A_496, %dma_start3A_497, %dma_start3A_498, %dma_start3A_499] : memref<2x16x8x384xf32, #tpu.memory_space<vmem>> -> memref<1x16x8x384xf32, #tpu.memory_space<vmem>>
      %dma_start3A_501 = tpu.memref_squeeze %dma_start3A_500 : memref<1x16x8x384xf32, #tpu.memory_space<vmem>> -> memref<16x8x384xf32, #tpu.memory_space<vmem>>
      %dma_start3A_502 = arith.constant 0 : i32
      %dma_start3A_503 = arith.constant 0 : i32
      %dma_start3A_504 = tpu.memref_slice %arg4[%add3A_495, %dma_start3A_502, %dma_start3A_503] : memref<18432x8x384xf32, #tpu.memory_space<hbm>> -> memref<16x8x384xf32, #tpu.memory_space<hbm>>
      %dma_start3A_505 = arith.constant 0 : i32
      %dma_start3A_506 = arith.constant 0 : i32
      %dma_start3A_507 = tpu.memref_slice %arg4[%add3A_495, %dma_start3A_505, %dma_start3A_506] : memref<18432x8x384xf32, #tpu.memory_space<hbm>> -> memref<16x8x384xf32, #tpu.memory_space<hbm>>
      %dma_start3A_508 = arith.constant 0 : i32
      %dma_start3A_509 = arith.constant 0 : i32
      %dma_start3A_510 = arith.constant 0 : i32
      %dma_start3A_511 = tpu.memref_slice %arg8[%dma_start3A_496, %dma_start3A_508, %dma_start3A_509, %dma_start3A_510] : memref<2x16x8x384xf32, #tpu.memory_space<vmem>> -> memref<1x16x8x384xf32, #tpu.memory_space<vmem>>
      %dma_start3A_512 = tpu.memref_squeeze %dma_start3A_511 : memref<1x16x8x384xf32, #tpu.memory_space<vmem>> -> memref<16x8x384xf32, #tpu.memory_space<vmem>>
      tpu.enqueue_dma source(%dma_start3A_512 : memref<16x8x384xf32, #tpu.memory_space<vmem>>) target(%dma_start3A_507 : memref<16x8x384xf32, #tpu.memory_space<hbm>>) target_semaphore(%arg13 : memref<!tpu.dma_semaphore, #tpu.memory_space<semaphore_mem>>)
    }
    %scan3A_182 = arith.constant 16 : i32
    %dma_wait3A_183 = arith.constant 0 : i32
    %dma_wait3A_184 = arith.constant 0 : i32
    %dma_wait3A_185 = arith.constant 0 : i32
    %dma_wait3A_186 = arith.constant 0 : i32
    %dma_wait3A_187 = tpu.memref_slice %arg8[%dma_wait3A_183, %dma_wait3A_184, %dma_wait3A_185, %dma_wait3A_186] : memref<2x16x8x384xf32, #tpu.memory_space<vmem>> -> memref<1x16x8x384xf32, #tpu.memory_space<vmem>>
    %dma_wait3A_188 = tpu.memref_squeeze %dma_wait3A_187 : memref<1x16x8x384xf32, #tpu.memory_space<vmem>> -> memref<16x8x384xf32, #tpu.memory_space<vmem>>
    %dma_wait3A_189 = arith.constant 0 : i32
    %dma_wait3A_190 = arith.constant 0 : i32
    %dma_wait3A_191 = arith.constant 0 : i32
    %dma_wait3A_192 = tpu.memref_slice %arg3[%dma_wait3A_189, %dma_wait3A_190, %dma_wait3A_191] : memref<9216x8x384xf32, #tpu.memory_space<hbm>> -> memref<16x8x384xf32, #tpu.memory_space<hbm>>
    %dma_wait3A_193 = arith.constant 0 : i32
    %dma_wait3A_194 = arith.constant 0 : i32
    %dma_wait3A_195 = arith.constant 0 : i32
    %dma_wait3A_196 = tpu.memref_slice %arg8[%dma_wait3A_183, %dma_wait3A_193, %dma_wait3A_194, %dma_wait3A_195] : memref<2x16x8x384xf32, #tpu.memory_space<vmem>> -> memref<1x16x8x384xf32, #tpu.memory_space<vmem>>
    %dma_wait3A_197 = tpu.memref_squeeze %dma_wait3A_196 : memref<1x16x8x384xf32, #tpu.memory_space<vmem>> -> memref<16x8x384xf32, #tpu.memory_space<vmem>>
    %dma_wait3A_198 = arith.constant 0 : i32
    %dma_wait3A_199 = arith.constant 0 : i32
    %dma_wait3A_200 = arith.constant 0 : i32
    %dma_wait3A_201 = tpu.memref_slice %arg3[%dma_wait3A_198, %dma_wait3A_199, %dma_wait3A_200] : memref<9216x8x384xf32, #tpu.memory_space<hbm>> -> memref<16x8x384xf32, #tpu.memory_space<hbm>>
    tpu.wait_dma2 semaphore(%arg10 : memref<!tpu.dma_semaphore, #tpu.memory_space<semaphore_mem>>) src(%dma_wait3A_201 : memref<16x8x384xf32, #tpu.memory_space<hbm>>) dst(%dma_wait3A_197 : memref<16x8x384xf32, #tpu.memory_space<vmem>>)
    %dma_wait3A_202 = arith.constant 1 : i32
    %dma_wait3A_203 = arith.constant 0 : i32
    %dma_wait3A_204 = arith.constant 0 : i32
    %dma_wait3A_205 = arith.constant 0 : i32
    %dma_wait3A_206 = tpu.memref_slice %arg8[%dma_wait3A_202, %dma_wait3A_203, %dma_wait3A_204, %dma_wait3A_205] : memref<2x16x8x384xf32, #tpu.memory_space<vmem>> -> memref<1x16x8x384xf32, #tpu.memory_space<vmem>>
    %dma_wait3A_207 = tpu.memref_squeeze %dma_wait3A_206 : memref<1x16x8x384xf32, #tpu.memory_space<vmem>> -> memref<16x8x384xf32, #tpu.memory_space<vmem>>
    %dma_wait3A_208 = arith.constant 0 : i32
    %dma_wait3A_209 = arith.constant 0 : i32
    %dma_wait3A_210 = arith.constant 0 : i32
    %dma_wait3A_211 = tpu.memref_slice %arg4[%dma_wait3A_208, %dma_wait3A_209, %dma_wait3A_210] : memref<18432x8x384xf32, #tpu.memory_space<hbm>> -> memref<16x8x384xf32, #tpu.memory_space<hbm>>
    %dma_wait3A_212 = arith.constant 0 : i32
    %dma_wait3A_213 = arith.constant 0 : i32
    %dma_wait3A_214 = arith.constant 0 : i32
    %dma_wait3A_215 = tpu.memref_slice %arg4[%dma_wait3A_212, %dma_wait3A_213, %dma_wait3A_214] : memref<18432x8x384xf32, #tpu.memory_space<hbm>> -> memref<16x8x384xf32, #tpu.memory_space<hbm>>
    %dma_wait3A_216 = arith.constant 0 : i32
    %dma_wait3A_217 = arith.constant 0 : i32
    %dma_wait3A_218 = arith.constant 0 : i32
    %dma_wait3A_219 = tpu.memref_slice %arg8[%dma_wait3A_202, %dma_wait3A_216, %dma_wait3A_217, %dma_wait3A_218] : memref<2x16x8x384xf32, #tpu.memory_space<vmem>> -> memref<1x16x8x384xf32, #tpu.memory_space<vmem>>
    %dma_wait3A_220 = tpu.memref_squeeze %dma_wait3A_219 : memref<1x16x8x384xf32, #tpu.memory_space<vmem>> -> memref<16x8x384xf32, #tpu.memory_space<vmem>>
    tpu.wait_dma2 semaphore(%arg13 : memref<!tpu.dma_semaphore, #tpu.memory_space<semaphore_mem>>) src(%dma_wait3A_220 : memref<16x8x384xf32, #tpu.memory_space<vmem>>) dst(%dma_wait3A_215 : memref<16x8x384xf32, #tpu.memory_space<hbm>>)
    %add3A_221 = arith.constant 35 : i32
    %add3A_222 = arith.addi %add3A_221, %rem3A_18 : i32
    %rem3A_223 = arith.constant 36 : i32
    %rem3A_224 = arith.remsi %add3A_222, %rem3A_223 : i32
    %mul3A_225 = arith.constant 16 : i32
    %mul3A_226 = arith.muli %rem3A_224, %mul3A_225 : i32
    %multiple_of3A_227 = tpu.assume_multiple %mul3A_226, 16 : i32
    %dma_start3A_228 = arith.constant 1 : i32
    %dma_start3A_229 = arith.constant 0 : i32
    %dma_start3A_230 = arith.constant 0 : i32
    %dma_start3A_231 = arith.constant 0 : i32
    %dma_start3A_232 = tpu.memref_slice %arg8[%dma_start3A_228, %dma_start3A_229, %dma_start3A_230, %dma_start3A_231] : memref<2x16x8x384xf32, #tpu.memory_space<vmem>> -> memref<1x16x8x384xf32, #tpu.memory_space<vmem>>
    %dma_start3A_233 = tpu.memref_squeeze %dma_start3A_232 : memref<1x16x8x384xf32, #tpu.memory_space<vmem>> -> memref<16x8x384xf32, #tpu.memory_space<vmem>>
    %dma_start3A_234 = tpu.memref_slice %arg7[%multiple_of3A_227] : memref<576xi32, #tpu.memory_space<vmem>> -> memref<16xi32, #tpu.memory_space<vmem>>
    %dma_start3A_235 = arith.constant 0 : i32
    %dma_start3A_236 = arith.constant 0 : i32
    %dma_start3A_237 = arith.constant 0 : i32
    %dma_start3A_238 = tpu.memref_slice %arg3[%dma_start3A_235, %dma_start3A_236, %dma_start3A_237] : memref<9216x8x384xf32, #tpu.memory_space<hbm>> -> memref<9216x8x384xf32, #tpu.memory_space<hbm>>
    tpu.enqueue_indirect_dma source(%dma_start3A_238 : memref<9216x8x384xf32, #tpu.memory_space<hbm>>) target(%dma_start3A_233 : memref<16x8x384xf32, #tpu.memory_space<vmem>>) offsets(%dma_start3A_234 : memref<16xi32, #tpu.memory_space<vmem>>) semaphore(%arg11 : memref<!tpu.dma_semaphore, #tpu.memory_space<semaphore_mem>>)
    %add3A_239 = arith.constant 34 : i32
    %add3A_240 = arith.addi %add3A_239, %rem3A_18 : i32
    %rem3A_241 = arith.constant 36 : i32
    %rem3A_242 = arith.remsi %add3A_240, %rem3A_241 : i32
    %mul3A_243 = arith.constant 16 : i32
    %mul3A_244 = arith.muli %rem3A_242, %mul3A_243 : i32
    %add3A_245 = arith.addi %mul3A_2, %mul3A_244 : i32
    %dma_start3A_246 = arith.constant 0 : i32
    %dma_start3A_247 = arith.constant 0 : i32
    %dma_start3A_248 = arith.constant 0 : i32
    %dma_start3A_249 = arith.constant 0 : i32
    %dma_start3A_250 = tpu.memref_slice %arg8[%dma_start3A_246, %dma_start3A_247, %dma_start3A_248, %dma_start3A_249] : memref<2x16x8x384xf32, #tpu.memory_space<vmem>> -> memref<1x16x8x384xf32, #tpu.memory_space<vmem>>
    %dma_start3A_251 = tpu.memref_squeeze %dma_start3A_250 : memref<1x16x8x384xf32, #tpu.memory_space<vmem>> -> memref<16x8x384xf32, #tpu.memory_space<vmem>>
    %dma_start3A_252 = arith.constant 0 : i32
    %dma_start3A_253 = arith.constant 0 : i32
    %dma_start3A_254 = tpu.memref_slice %arg4[%add3A_245, %dma_start3A_252, %dma_start3A_253] : memref<18432x8x384xf32, #tpu.memory_space<hbm>> -> memref<16x8x384xf32, #tpu.memory_space<hbm>>
    %dma_start3A_255 = arith.constant 0 : i32
    %dma_start3A_256 = arith.constant 0 : i32
    %dma_start3A_257 = tpu.memref_slice %arg4[%add3A_245, %dma_start3A_255, %dma_start3A_256] : memref<18432x8x384xf32, #tpu.memory_space<hbm>> -> memref<16x8x384xf32, #tpu.memory_space<hbm>>
    %dma_start3A_258 = arith.constant 0 : i32
    %dma_start3A_259 = arith.constant 0 : i32
    %dma_start3A_260 = arith.constant 0 : i32
    %dma_start3A_261 = tpu.memref_slice %arg8[%dma_start3A_246, %dma_start3A_258, %dma_start3A_259, %dma_start3A_260] : memref<2x16x8x384xf32, #tpu.memory_space<vmem>> -> memref<1x16x8x384xf32, #tpu.memory_space<vmem>>
    %dma_start3A_262 = tpu.memref_squeeze %dma_start3A_261 : memref<1x16x8x384xf32, #tpu.memory_space<vmem>> -> memref<16x8x384xf32, #tpu.memory_space<vmem>>
    tpu.enqueue_dma source(%dma_start3A_262 : memref<16x8x384xf32, #tpu.memory_space<vmem>>) target(%dma_start3A_257 : memref<16x8x384xf32, #tpu.memory_space<hbm>>) target_semaphore(%arg12 : memref<!tpu.dma_semaphore, #tpu.memory_space<semaphore_mem>>)
    %dma_wait3A_263 = arith.constant 1 : i32
    %dma_wait3A_264 = arith.constant 0 : i32
    %dma_wait3A_265 = arith.constant 0 : i32
    %dma_wait3A_266 = arith.constant 0 : i32
    %dma_wait3A_267 = tpu.memref_slice %arg8[%dma_wait3A_263, %dma_wait3A_264, %dma_wait3A_265, %dma_wait3A_266] : memref<2x16x8x384xf32, #tpu.memory_space<vmem>> -> memref<1x16x8x384xf32, #tpu.memory_space<vmem>>
    %dma_wait3A_268 = tpu.memref_squeeze %dma_wait3A_267 : memref<1x16x8x384xf32, #tpu.memory_space<vmem>> -> memref<16x8x384xf32, #tpu.memory_space<vmem>>
    %dma_wait3A_269 = arith.constant 0 : i32
    %dma_wait3A_270 = arith.constant 0 : i32
    %dma_wait3A_271 = arith.constant 0 : i32
    %dma_wait3A_272 = tpu.memref_slice %arg3[%dma_wait3A_269, %dma_wait3A_270, %dma_wait3A_271] : memref<9216x8x384xf32, #tpu.memory_space<hbm>> -> memref<16x8x384xf32, #tpu.memory_space<hbm>>
    %dma_wait3A_273 = arith.constant 0 : i32
    %dma_wait3A_274 = arith.constant 0 : i32
    %dma_wait3A_275 = arith.constant 0 : i32
    %dma_wait3A_276 = tpu.memref_slice %arg8[%dma_wait3A_263, %dma_wait3A_273, %dma_wait3A_274, %dma_wait3A_275] : memref<2x16x8x384xf32, #tpu.memory_space<vmem>> -> memref<1x16x8x384xf32, #tpu.memory_space<vmem>>
    %dma_wait3A_277 = tpu.memref_squeeze %dma_wait3A_276 : memref<1x16x8x384xf32, #tpu.memory_space<vmem>> -> memref<16x8x384xf32, #tpu.memory_space<vmem>>
    %dma_wait3A_278 = arith.constant 0 : i32
    %dma_wait3A_279 = arith.constant 0 : i32
    %dma_wait3A_280 = arith.constant 0 : i32
    %dma_wait3A_281 = tpu.memref_slice %arg3[%dma_wait3A_278, %dma_wait3A_279, %dma_wait3A_280] : memref<9216x8x384xf32, #tpu.memory_space<hbm>> -> memref<16x8x384xf32, #tpu.memory_space<hbm>>
    tpu.wait_dma2 semaphore(%arg11 : memref<!tpu.dma_semaphore, #tpu.memory_space<semaphore_mem>>) src(%dma_wait3A_281 : memref<16x8x384xf32, #tpu.memory_space<hbm>>) dst(%dma_wait3A_277 : memref<16x8x384xf32, #tpu.memory_space<vmem>>)
    %add3A_282 = arith.constant 35 : i32
    %add3A_283 = arith.addi %add3A_282, %rem3A_18 : i32
    %rem3A_284 = arith.constant 36 : i32
    %rem3A_285 = arith.remsi %add3A_283, %rem3A_284 : i32
    %mul3A_286 = arith.constant 16 : i32
    %mul3A_287 = arith.muli %rem3A_285, %mul3A_286 : i32
    %add3A_288 = arith.addi %mul3A_2, %mul3A_287 : i32
    %dma_start3A_289 = arith.constant 1 : i32
    %dma_start3A_290 = arith.constant 0 : i32
    %dma_start3A_291 = arith.constant 0 : i32
    %dma_start3A_292 = arith.constant 0 : i32
    %dma_start3A_293 = tpu.memref_slice %arg8[%dma_start3A_289, %dma_start3A_290, %dma_start3A_291, %dma_start3A_292] : memref<2x16x8x384xf32, #tpu.memory_space<vmem>> -> memref<1x16x8x384xf32, #tpu.memory_space<vmem>>
    %dma_start3A_294 = tpu.memref_squeeze %dma_start3A_293 : memref<1x16x8x384xf32, #tpu.memory_space<vmem>> -> memref<16x8x384xf32, #tpu.memory_space<vmem>>
    %dma_start3A_295 = arith.constant 0 : i32
    %dma_start3A_296 = arith.constant 0 : i32
    %dma_start3A_297 = tpu.memref_slice %arg4[%add3A_288, %dma_start3A_295, %dma_start3A_296] : memref<18432x8x384xf32, #tpu.memory_space<hbm>> -> memref<16x8x384xf32, #tpu.memory_space<hbm>>
    %dma_start3A_298 = arith.constant 0 : i32
    %dma_start3A_299 = arith.constant 0 : i32
    %dma_start3A_300 = tpu.memref_slice %arg4[%add3A_288, %dma_start3A_298, %dma_start3A_299] : memref<18432x8x384xf32, #tpu.memory_space<hbm>> -> memref<16x8x384xf32, #tpu.memory_space<hbm>>
    %dma_start3A_301 = arith.constant 0 : i32
    %dma_start3A_302 = arith.constant 0 : i32
    %dma_start3A_303 = arith.constant 0 : i32
    %dma_start3A_304 = tpu.memref_slice %arg8[%dma_start3A_289, %dma_start3A_301, %dma_start3A_302, %dma_start3A_303] : memref<2x16x8x384xf32, #tpu.memory_space<vmem>> -> memref<1x16x8x384xf32, #tpu.memory_space<vmem>>
    %dma_start3A_305 = tpu.memref_squeeze %dma_start3A_304 : memref<1x16x8x384xf32, #tpu.memory_space<vmem>> -> memref<16x8x384xf32, #tpu.memory_space<vmem>>
    tpu.enqueue_dma source(%dma_start3A_305 : memref<16x8x384xf32, #tpu.memory_space<vmem>>) target(%dma_start3A_300 : memref<16x8x384xf32, #tpu.memory_space<hbm>>) target_semaphore(%arg13 : memref<!tpu.dma_semaphore, #tpu.memory_space<semaphore_mem>>)
    %dma_wait3A_306 = arith.constant 0 : i32
    %dma_wait3A_307 = arith.constant 0 : i32
    %dma_wait3A_308 = arith.constant 0 : i32
    %dma_wait3A_309 = arith.constant 0 : i32
    %dma_wait3A_310 = tpu.memref_slice %arg8[%dma_wait3A_306, %dma_wait3A_307, %dma_wait3A_308, %dma_wait3A_309] : memref<2x16x8x384xf32, #tpu.memory_space<vmem>> -> memref<1x16x8x384xf32, #tpu.memory_space<vmem>>
    %dma_wait3A_311 = tpu.memref_squeeze %dma_wait3A_310 : memref<1x16x8x384xf32, #tpu.memory_space<vmem>> -> memref<16x8x384xf32, #tpu.memory_space<vmem>>
    %dma_wait3A_312 = arith.constant 0 : i32
    %dma_wait3A_313 = arith.constant 0 : i32
    %dma_wait3A_314 = arith.constant 0 : i32
    %dma_wait3A_315 = tpu.memref_slice %arg4[%dma_wait3A_312, %dma_wait3A_313, %dma_wait3A_314] : memref<18432x8x384xf32, #tpu.memory_space<hbm>> -> memref<16x8x384xf32, #tpu.memory_space<hbm>>
    %dma_wait3A_316 = arith.constant 0 : i32
    %dma_wait3A_317 = arith.constant 0 : i32
    %dma_wait3A_318 = arith.constant 0 : i32
    %dma_wait3A_319 = tpu.memref_slice %arg4[%dma_wait3A_316, %dma_wait3A_317, %dma_wait3A_318] : memref<18432x8x384xf32, #tpu.memory_space<hbm>> -> memref<16x8x384xf32, #tpu.memory_space<hbm>>
    %dma_wait3A_320 = arith.constant 0 : i32
    %dma_wait3A_321 = arith.constant 0 : i32
    %dma_wait3A_322 = arith.constant 0 : i32
    %dma_wait3A_323 = tpu.memref_slice %arg8[%dma_wait3A_306, %dma_wait3A_320, %dma_wait3A_321, %dma_wait3A_322] : memref<2x16x8x384xf32, #tpu.memory_space<vmem>> -> memref<1x16x8x384xf32, #tpu.memory_space<vmem>>
    %dma_wait3A_324 = tpu.memref_squeeze %dma_wait3A_323 : memref<1x16x8x384xf32, #tpu.memory_space<vmem>> -> memref<16x8x384xf32, #tpu.memory_space<vmem>>
    tpu.wait_dma2 semaphore(%arg12 : memref<!tpu.dma_semaphore, #tpu.memory_space<semaphore_mem>>) src(%dma_wait3A_324 : memref<16x8x384xf32, #tpu.memory_space<vmem>>) dst(%dma_wait3A_319 : memref<16x8x384xf32, #tpu.memory_space<hbm>>)
    %dma_wait3A_325 = arith.constant 1 : i32
    %dma_wait3A_326 = arith.constant 0 : i32
    %dma_wait3A_327 = arith.constant 0 : i32
    %dma_wait3A_328 = arith.constant 0 : i32
    %dma_wait3A_329 = tpu.memref_slice %arg8[%dma_wait3A_325, %dma_wait3A_326, %dma_wait3A_327, %dma_wait3A_328] : memref<2x16x8x384xf32, #tpu.memory_space<vmem>> -> memref<1x16x8x384xf32, #tpu.memory_space<vmem>>
    %dma_wait3A_330 = tpu.memref_squeeze %dma_wait3A_329 : memref<1x16x8x384xf32, #tpu.memory_space<vmem>> -> memref<16x8x384xf32, #tpu.memory_space<vmem>>
    %dma_wait3A_331 = arith.constant 0 : i32
    %dma_wait3A_332 = arith.constant 0 : i32
    %dma_wait3A_333 = arith.constant 0 : i32
    %dma_wait3A_334 = tpu.memref_slice %arg4[%dma_wait3A_331, %dma_wait3A_332, %dma_wait3A_333] : memref<18432x8x384xf32, #tpu.memory_space<hbm>> -> memref<16x8x384xf32, #tpu.memory_space<hbm>>
    %dma_wait3A_335 = arith.constant 0 : i32
    %dma_wait3A_336 = arith.constant 0 : i32
    %dma_wait3A_337 = arith.constant 0 : i32
    %dma_wait3A_338 = tpu.memref_slice %arg4[%dma_wait3A_335, %dma_wait3A_336, %dma_wait3A_337] : memref<18432x8x384xf32, #tpu.memory_space<hbm>> -> memref<16x8x384xf32, #tpu.memory_space<hbm>>
    %dma_wait3A_339 = arith.constant 0 : i32
    %dma_wait3A_340 = arith.constant 0 : i32
    %dma_wait3A_341 = arith.constant 0 : i32
    %dma_wait3A_342 = tpu.memref_slice %arg8[%dma_wait3A_325, %dma_wait3A_339, %dma_wait3A_340, %dma_wait3A_341] : memref<2x16x8x384xf32, #tpu.memory_space<vmem>> -> memref<1x16x8x384xf32, #tpu.memory_space<vmem>>
    %dma_wait3A_343 = tpu.memref_squeeze %dma_wait3A_342 : memref<1x16x8x384xf32, #tpu.memory_space<vmem>> -> memref<16x8x384xf32, #tpu.memory_space<vmem>>
    tpu.wait_dma2 semaphore(%arg13 : memref<!tpu.dma_semaphore, #tpu.memory_space<semaphore_mem>>) src(%dma_wait3A_343 : memref<16x8x384xf32, #tpu.memory_space<vmem>>) dst(%dma_wait3A_338 : memref<16x8x384xf32, #tpu.memory_space<hbm>>)
    return
  }
}

</mosaic_0001>

<sc_bundles>
// kernel: kernel.3.cloned.1.call-start
scs
__scs_entry_jumppad:
0x0: {  	(pc) =	sbr.rel $0x88, $3  }
0x1: {  	(tag) =	ssettag $0x0;
	lr =	simm.s32 $0x1  }
0x2: {  	[smem:$0x3F9F] =	sst lr;
	_ =	strace $0xD0000000  }
0x3: {  	_ = 	snop  }
0x4: {  	_ = 	snop  }
0x5: {  	_ = 	snop  }
0x6: {  	_ = 	snop  }
0x7: {  	_ = 	snop  }
__scs_overlays_trampoline_lowered:
0x8: {  	[smem:$0x3FAE] =	sst s0  }
0x9: {  	[smem:$0x3FAF] =	sst s1  }
0xa: {  	[smem:$0x3FB0] =	sst s2  }
0xb: {  	[smem:$0x3FB1] =	sst s3  }
0xc: {  	[smem:$0x3FB2] =	sst s4  }
0xd: {  	[smem:$0x3FB3] =	sst s5  }
0xe: {  	[smem:$0x3FB4] =	sst s6  }
0xf: {  	[smem:$0x3FB5] =	sst s7  }
0x10: {  	[smem:$0x3FB6] =	sst s8  }
0x11: {  	[smem:$0x3FB7] =	sst s9;
	s0 =	simm.s32 @!p0 $0x0  }
0x12: {  	s1 =	sld [smem:$0x3F9D];
	s0 =	simm.s32 @p0 $0x1  }
0x13: {  	[smem:$0x3FB8] =	sst s0;
	s0 =	simm.s32 @!p1 $0x0  }
0x14: {  	s2 =	sld [smem:$0x3F9C];
	s0 =	simm.s32 @p1 $0x1  }
0x15: {  	[smem:$0x3FB9] =	sst s0;
	s0 =	simm.s32 @!p2 $0x0  }
0x16: {  	s3 =	sld [smem:$0x3FDB];
	s0 =	simm.s32 @p2 $0x1  }
0x17: {  	s4 =	simm.s32 $0x1BF5;
	[smem:$0x3FBB] =	sst s0  }
0x18: {  	s0 =	sld [smem:$0x3F9E];
	_ =	swait.ge [sflag:s4], $0x0  }
0x19: {  	s7 =	sld [smem:$0x3F9F]  }
0x1a: {  	s8 =	sadd.s32 $0xFFFFE003, lr  }
0x1b: {  	s9 =	sadd.s32 $0xFFFFFEF7, lr;
	s5 =	simm.s32 $0xFFFFFFFF;
	p2 =	slt.u32 s8, $0xFFFFF086  }
0x1c: {  	p1 =	slt.u32 s9, $0xF7A;
	s5 =	simm.s32 @!p2 $0x0  }
0x1d: {  	s5 =	simm.s32 @p1 $0x1;
	p0 =	seq.s32 s7, s2  }
0x1e: {  	s7 =	smul.u32 @!p0 $0xF7A, s2;
	p2 =	seq.s32 @!p0 s5, $0x0  }
0x1f: {  	s9 =	smul.u32 $0xF7A, s1;
	s8 =	simm.s32 @!p0 $0x1BF5;
	p2 =	por !p2, p0  }
0x20: {  	[sflag:s8] =	ssyncset.s32 @!p0 $0xFFFFF086;
	s6 =	sadd.s32 @!p0 s3, s7;
	s7 =	simm.s32 @!p0 $0x108  }
0x21: {  	s3 =	sadd.s32 s3, s9;
	s6 =	sadd.s32 @!p0 $0x88, s6;
	s7 =	simm.s32 @p2 $0x1082  }
0x22: {  	[simem:s7], [sflag:s8] =	dma.local @!p0 [hbm:s6], $0xF7A  }
0x23: {  	s9 =	sor.u32 $0xD0000000, s2;
	s6 =	simm.s32 $0x108;
	_ =	swait.ge @!p0 [sflag:s8], $0x0  }
0x24: {  	s3 =	sadd.s32 $0x88, s3;
	s6 =	simm.s32 @!p1 $0x1082;
	[sflag:s4] =	ssyncset.s32 $0xFFFFF086  }
0x25: {  	[simem:s6], [sflag:s4] =	dma.local [hbm:s3], $0xF7A  }
0x26: {  	[smem:$0x3F9F] =	sst s1;
	(tag) =	ssettag s2;
	_ =	strace s9  }
0x27: {  	s1 =	sld [smem:$0x3FAF]  }
0x28: {  	s2 =	sld [smem:$0x3FB0]  }
0x29: {  	s4 =	sld [smem:$0x3FB2]  }
0x2a: {  	p0 =	seq.s32 s5, $0x0;
	s5 =	sld [smem:$0x3FB3]  }
0x2b: {  	s6 =	sld [smem:$0x3FB4]  }
0x2c: {  	s7 =	sld [smem:$0x3FB5]  }
0x2d: {  	s3 =	simm.s32 $0x108;
	s8 =	sld [smem:$0x3FB6]  }
0x2e: {  	s3 =	simm.s32 @!p0 $0x1082;
	s9 =	sld [smem:$0x3FB7]  }
0x2f: {  	lr =	sadd.s32 s0, s3;
	s0 =	sld [smem:$0x3FAE]  }
0x30: {  	s3 =	sld [smem:$0x3FB1]  }
0x31: {  	[smem:$0x3FBA] =	sst s10  }
0x32: {  	s10 =	sld [smem:$0x3FB8];
	_ =	sdelay $0x3  }
0x33: {  	p0 =	seq.s32 s10, $0x1;
	s10 =	sld [smem:$0x3FBA];
	_ =	sdelay $0x3  }
0x34: {  	[smem:$0x3FBA] =	sst s10  }
0x35: {  	s10 =	sld [smem:$0x3FB9];
	_ =	sdelay $0x3  }
0x36: {  	p1 =	seq.s32 s10, $0x1;
	s10 =	sld [smem:$0x3FBA];
	_ =	sdelay $0x3  }
0x37: {  	[smem:$0x3FBA] =	sst s10  }
0x38: {  	s10 =	sld [smem:$0x3FBB]  }
0x39: {  	_ = 	snop;
	(pc) =	sbr.ind lr, $3  }
0x3a: {  	_ = 	snop  }
0x3b: {  	_ = 	snop  }
0x3c: {  	p2 =	seq.s32 s10, $0x1;
	s10 =	sld [smem:$0x3FBA]  }
0x3d: {  	_ =	shalt  }
0x3e: {  	_ =	shalt  }
0x3f: {  	_ =	shalt  }
0x40: {  	_ =	shalt  }
0x41: {  	_ =	shalt  }
0x42: {  	_ =	shalt  }
0x43: {  	_ =	shalt  }
0x44: {  	_ =	shalt  }
0x45: {  	_ =	shalt  }
0x46: {  	_ =	shalt  }
0x47: {  	_ =	shalt  }
0x48: {  	_ =	shalt  }
0x49: {  	_ =	shalt  }
0x4a: {  	_ =	shalt  }
0x4b: {  	_ =	shalt  }
0x4c: {  	_ =	shalt  }
0x4d: {  	_ =	shalt  }
0x4e: {  	_ =	shalt  }
0x4f: {  	_ =	shalt  }
0x50: {  	_ =	shalt  }
0x51: {  	_ =	shalt  }
0x52: {  	_ =	shalt  }
0x53: {  	_ =	shalt  }
0x54: {  	_ =	shalt  }
0x55: {  	_ =	shalt  }
0x56: {  	_ =	shalt  }
0x57: {  	_ =	shalt  }
0x58: {  	_ =	shalt  }
0x59: {  	_ =	shalt  }
0x5a: {  	_ =	shalt  }
0x5b: {  	_ =	shalt  }
0x5c: {  	_ =	shalt  }
0x5d: {  	_ =	shalt  }
0x5e: {  	_ =	shalt  }
0x5f: {  	_ =	shalt  }
0x60: {  	_ =	shalt  }
0x61: {  	_ =	shalt  }
0x62: {  	_ =	shalt  }
0x63: {  	_ =	shalt  }
0x64: {  	_ =	shalt  }
0x65: {  	_ =	shalt  }
0x66: {  	_ =	shalt  }
0x67: {  	_ =	shalt  }
0x68: {  	_ =	shalt  }
0x69: {  	_ =	shalt  }
0x6a: {  	_ =	shalt  }
0x6b: {  	_ =	shalt  }
0x6c: {  	_ =	shalt  }
0x6d: {  	_ =	shalt  }
0x6e: {  	_ =	shalt  }
0x6f: {  	_ =	shalt  }
0x70: {  	_ =	shalt  }
0x71: {  	_ =	shalt  }
0x72: {  	_ =	shalt  }
0x73: {  	_ =	shalt  }
0x74: {  	_ =	shalt  }
0x75: {  	_ =	shalt  }
0x76: {  	_ =	shalt  }
0x77: {  	_ =	shalt  }
0x78: {  	_ =	shalt  }
0x79: {  	_ =	shalt  }
0x7a: {  	_ =	shalt  }
0x7b: {  	_ =	shalt  }
0x7c: {  	_ =	shalt  }
0x7d: {  	_ =	shalt  }
0x7e: {  	_ =	shalt  }
0x7f: {  	_ =	shalt  }
0x80: {  	_ =	shalt  }
0x81: {  	_ =	shalt  }
0x82: {  	_ =	shalt  }
0x83: {  	_ =	shalt  }
0x84: {  	_ =	shalt  }
0x85: {  	_ =	shalt  }
0x86: {  	_ =	shalt  }
0x87: {  	_ =	shalt  }
.Lfunc_end0:
.L_simem_size_0:
called_computation_lowered:
.L_overlay_start_0:
0x88: {  	s2 =	sld [smem:$0x3FD9]  }
0x89: {  	s3 =	sld [smem:$0x3FFE];
	_ =	sdelay $0x1  }
0x8a: {  	s1 =	srdreg.scid  }
0x8b: {  	s0 =	sand.u32 $0x1, s1  }
0x8c: {  	s18 =	sshll.u32 s0, $0xA;
	s2 =	sadd.s32 s3, s2  }
0x8d: {  	s2 =	sadd.s32 s2, s18  }
0x8e: {  	[smem:$0x3FC6] =	sst s2  }
0x8f: {  	_ = 	snop  }
0x90: {  	s2 =	sld [smem:$0x3FC9]  }
0x91: {  	s19 =	sld [smem:$0x3FC8]  }
0x92: {  	s4 =	sld [smem:$0x3FD0];
	(tm) =	ssettm $0x1  }
0x93: {  	s5 =	sld [smem:$0x3FFB];
	_ =	sdelay $0x3  }
0x94: {  	_ =	strace s5  }
0x95: {  	s5 =	sld [smem:$0x3FFC];
	_ =	sdelay $0x3  }
0x96: {  	_ =	strace s5  }
0x97: {  	s5 =	sld [smem:$0x3FFD];
	_ =	sdelay $0x3  }
0x98: {  	_ =	strace s5  }
0x99: {  	_ =	strace $0x8FFFFFFF  }
0x9a: {  	s20 =	sld [smem:$0x3FDB];
	_ =	sdelay $0x1  }
0x9b: {  	s6 =	simm.s32 $_scs_section_size  }
0x9c: {  	s7 =	simm.s32 $_size__tile_overlayer_lowered;
	s8 =	simm.s32 $_tile_overlayer_lowered  }
0x9d: {  	s23 =	simm.s32 $0x1BFF;
	s22 =	sshll.u32 s8, $0x1;
	s5 =	sadd.s32 s6, s20  }
0x9e: {  	s9 =	simm.s32 $0x0;
	s21 =	sshll.u32 s7, $0x1;
	s7 =	sadd.s32 s22, s5  }
0x9f: {  	[timem:s9], [sflag:s23] =	dma.local [hbm:s7], s21  }
0xa0: {  	_ =	swait.ge [sflag:s23], s21  }
0xa1: {  	s6 =	ssub.s32 $0x0, s21;
	[sflag:s23] =	ssyncset.done $0x0  }
0xa2: {  	[sflag:s23] =	ssyncadd.s32 s6;
	_ =	sdelay $0x1  }
0xa3: {  	s24 =	simm.s32 $0x1B8B  }
0xa4: {  	_ =	swait.ge [sflag:s24], $0x1  }
0xa5: {  	[sflag:s24] =	ssyncset.done $0x0  }
0xa6: {  	s25 =	simm.s32 $0x1B8E;
	[sflag:s24] =	ssyncadd.s32 $0xFFFFFFFF  }
0xa7: {  	s26 =	simm.s32 $execute0_lowered;
	[smem:$0x3FD2] =	sst s25  }
0xa8: {  	s6 =	sshll.u32 s26, $0x1;
	_ =	strace $0x80000046;
	[dreg:$0x1] =	wrdreg $0xFFFFFFFF  }
0xa9: {  	s28 =	simm.s32 $_size_execute0_lowered;
	s5 =	sadd.s32 s5, s6;
	[dreg:$0x0] =	wrdreg $0x0  }
0xaa: {  	s6 =	sshll.u32 s28, $0x1;
	[dreg:$0x2] =	wrdreg s5  }
0xab: {  	[dreg:$0x3] =	wrdreg s6  }
0xac: {  	[dreg:$0x4] =	wrdreg $0xC0  }
0xad: {  	_ =	task [dreg:s9], $0x5FFFF  }
0xae: {  	[dreg:$0x1] =	wrdreg $0xFFFFFFFF  }
0xaf: {  	[dreg:$0x0] =	wrdreg $0x60  }
0xb0: {  	[dreg:$0x2] =	wrdreg s2  }
0xb1: {  	[dreg:$0x3] =	wrdreg s19  }
0xb2: {  	[dreg:$0x4] =	wrdreg s4  }
0xb3: {  	[dreg:$0x5] =	wrdreg $0x9  }
0xb4: {  	_ =	task.clear_ibuf [dreg:s9], $0x6FFFF;
	_ =	strace $0x90000046  }
0xb5: {  	s29 =	simm.s32 $0x9;
	_ =	strace $0x80000048  }
0xb6: {  	_ =	swait.ge [sflag:s29], $0x1  }
0xb7: {  	[sflag:s29] =	ssyncadd.s32 $0xFFFFFFFF  }
0xb8: {  	_ =	strace $0x90000048  }
0xb9: {  	_ =	sfence  }
0xba: {  	s30 =	sld [smem:$0x0];
	_ =	sdelay $0x2  }
0xbb: {  	s31 =	sshll.u32 s1, $0xD;
	s1 =	sshrl.u32 s1, $0x2  }
0xbc: {  	s3 =	sand.u32 $0x4000, s31;
	s1 =	sadd.s32 s1, s30  }
0xbd: {  	s0 =	sor.u32 s3, s0;
	s1 =	sshll.u32 s1, $0x11  }
0xbe: {  	s0 =	sor.u32 s1, s0  }
0xbf: {  	s0 =	sadd.s32 $0x8F2B, s0  }
0xc0: {  	[sflag:s0] =	ssyncadd.remote.s32 $0x1  }
0xc1: {  	_ =	sfence.sel $0xFFFF  }
0xc2: {  	[dreg:$0x0] =	wrdreg $0xFFFFFFFF;
	(pc) =	sbr.abs _section_cstart, $3  }
0xc3: {  	[dreg:$0x1] =	wrdreg $0xFFFFFFFF  }
0xc4: {  	_ =	task.clear_ibuf [dreg:s9], $0x2FFFF;
	_ =	strace $0x9FFFFFFF  }
0xc5: {  	(tm) =	ssettm $0x7FFFFFFF  }
tec
execute0_lowered:
.L_overlay_start_1:
0x0: {  	(tag) =	ssettag $0x1  }
0x1: {  	s19 =	stileid.u32  }
0x2: {  	s26 =	smul.u32 $0xE, s19  }
0x3: {  	s30 =	smul.u32 $0x480, s19  }
0x4: {  	s0 =	srdreg.scid;
	s13 =	smul.u32 $0x380, s19  }
0x5: {  	s15 =	sand.u32 $0x1, s0;
	s24 =	sshll.u32 s19, $0x1;
	s22 =	smul.u32 $0x81000, s19  }
0x6: {  	s0 =	sor.u32 s15, s24;
	s10 =	smul.u32 $0x7, s15  }
0x7: {  	s3 =	rddreg [dreg:$0x1];
	s1 =	smul.u32 $0x7, s0  }
0x8: {  	s16 =	rddreg [dreg:$0x2];
	s24 =	smul.u32 $0x40800, s15  }
0x9: {  	s4 =	simm.s32 $0x0;
	s17 =	sadd.s32 s10, s26;
	s2 =	smulhi.u32 $0x38E38E39, s1  }
0xa: {  	s6 =	simm.s32 $0x22;
	s28 =	simm.s32 $0x5;
	s10 =	smulhi.u32 $0x38E38E39, s17  }
0xb: {  	s29 =	simm.s32 $0x0;
	[smem:$0x7FF] =	sst s4;
	s0 =	smul.u32 $0x240, s0  }
0xc: {  	s2 =	sshrl.u32 s2, $0x3;
	s18 =	sshrl.u32 s10, $0x3;
	s10 =	smul.u32 $0x240, s15  }
0xd: {  	_ =	strace $0x80000047;
	s25 =	ssub.s32 $0x2, s15;
	s2 =	smul.u32 $0x24, s2  }
0xe: {  	s11 =	sshrl.u32 s25, $0x1;
	s26 =	sadd.s32 s22, s16;
	s31 =	smul.u32 $0x900, s18  }
0xf: {  	s22 =	simm.s32 $0x780;
	s21 =	smul.u32 $0x24, s18;
	s1 =	ssub.s32 s1, s2  }
0x10: {  	s14 =	sadd.s32 s10, s30;
	s30 =	smul.u32 $0x36000, s18;
	s2 =	sadd.s32 $0x1, s1  }
0x11: {  	s9 =	sshll.u32 s1, $0x4;
	p0 =	seq.s32 s2, $0x24;
	s7 =	sshll.u32 s2, $0x4  }
0x12: {  	s5 =	sadd.s32 s0, s9;
	[dreg:$0x8] =	wrdreg s9;
	s2 =	ssub.s32 s25, s11  }
0x13: {  	s11 =	smul.u32 $0x1C0, s15;
	s7 =	simm.s32 @p0 $0x0;
	p0 =	slt.u32 s1, $0x2  }
0x14: {  	s5 =	smul.u32 $0x180, s5;
	[dreg:$0x7] =	wrdreg s7;
	s7 =	sadd.s32 s0, s7  }
0x15: {  	s6 =	simm.s32 @!p0 $0xFFFFFFFE;
	p0 =	seq.s32 s1, $0x0;
	[dreg:$0x6] =	wrdreg s11  }
0x16: {  	s8 =	smul.u32 $0x180, s7;
	s6 =	sadd.s32 s6, s1;
	s7 =	sadd.s32 $0xFFFFFFF0, s9  }
0x17: {  	s9 =	simm.s32 $0x2;
	s5 =	sadd.s32 s16, s5;
	s6 =	sshll.u32 s6, $0x4  }
0x18: {  	s7 =	simm.s32 @p0 $0x230;
	p0 =	slt.u32 s1, $0x22;
	s6 =	sadd.s32 s0, s6  }
0x19: {  	[dreg:$0x9] =	wrdreg s5;
	s0 =	sadd.s32 s0, s7;
	s6 =	smul.u32 $0x180, s6  }
0x1a: {  	s9 =	simm.s32 @!p0 $0xFFFFFFDE;
	s8 =	sadd.s32 s16, s8;
	s0 =	smul.u32 $0x180, s0  }
0x1b: {  	s1 =	sadd.s32 s1, s9;
	s9 =	simm.s32 $0x2;
	[dreg:$0xa] =	wrdreg s8  }
0x1c: {  	s25 =	sshll.u32 s1, $0x6;
	s1 =	ssub.s32 s13, s31;
	s13 =	smax.u32 s2, $0x1  }
0x1d: {  	s31 =	ssub.s32 s17, s21;
	s6 =	sadd.s32 s16, s6;
	s12 =	sadd.s32 s16, s0  }
0x1e: {  	s20 =	sadd.s32 $0x100, s1;
	s0 =	sadd.s32 s24, s26;
	s1 =	sadd.s32 $0xC0, s1  }
0x1f: {  	s21 =	sadd.s32 $0x4, s31;
	s19 =	sadd.s32 $0x2, s31;
	s24 =	simm.s32 $0x3  }
0x20: {  	s25 =	sshrl.u32 s25, $0x2;
	s26 =	simm.s32 $0x4;
	[dreg:$0xb] =	wrdreg s6  }
0x21: {  	s2 =	sshra.s32 s20, $0x2;
	s5 =	ssub.s32 s0, s30;
	s1 =	sshra.s32 s1, $0x2  }
0x22: {  	s0 =	sadd.s32 $0x3, s31;
	s20 =	simm.s32 $0x1;
	s23 =	sadd.s32 $0x500, s2  }
0x23: {  	s2 =	sadd.s32 $0x4800, s5;
	s1 =	sadd.s32 $0x500, s1;
	[dreg:$0x4] =	wrdreg s23  }
0x24: {  	v0 =	vlaneseq.u32;
	vm0 =	vmmov $0xffff;
	[dreg:$0x5] =	wrdreg s1;
	s1 =	sadd.s32 $0x3000, s5;
	s23 =	simm.s32 $0xC780  }
.LBB2_1:
0x25: {  	s5 =	smulhi.u32 $0x38E38E39, s14;
	s6 =	sshra.s32 s14, $0x1F  }
0x26: {  	s6 =	smul.u32 $0x38E38E39, s6  }
0x27: {  	s30 =	simm.s32 $0x40  }
0x28: {  	s15 =	sadd.s32 $0x10, s14;
	p0 =	slt.s32 s14, $0x1;
	s5 =	sadd.s32 s6, s5  }
0x29: {  	s17 =	simm.s32 $0x80;
	s6 =	sshrl.u32 s5, $0x1F;
	s5 =	sshra.s32 s5, $0x5  }
0x2a: {  	s16 =	simm.s32 $0x0;
	s8 =	smulhi.u32 $0x38E38E39, s15;
	s31 =	sadd.s32 s6, s5  }
0x2b: {  	s6 =	ssub.s32 $0x0, s14;
	s5 =	sshra.s32 s15, $0x1F;
	s18 =	smul.u32 $0xFFFFFF70, s31  }
.LBB2_2:
0x2c: {  	p1 =	sne.s32 s17, $0x8C0  }
0x2d: {  	s5 =	smul.u32 $0x38E38E39, s5;
	p2 =	sne.s32 s18, s6;
	s6 =	smov.u32 s15  }
0x2e: {  	s18 =	smov.u32 s16;
	s16 =	smov.u32 s30;
	s30 =	smov.u32 s17  }
0x2f: {  	s15 =	sadd.s32 $0x10, s15;
	s10 =	simm.s32 $0x1;
	p0 =	por !p0, !p2  }
.Ltmp0:
0x30: {  	s5 =	sadd.s32 s5, s8;
	p0 =	por !p0, !p0;
	(pc) =	sbr.rel @p1 .LBB2_2-.Ltmp0, $4  }
0x31: {  	s8 =	sshrl.u32 s5, $0x1F;
	s5 =	sshra.s32 s5, $0x5;
	s10 =	simm.s32 @!p0 $0x0  }
0x32: {  	s11 =	sshra.s32 s18, $0x2;
	s10 =	ssub.s32 s31, s10;
	s31 =	sadd.s32 s8, s5  }
0x33: {  	p0 =	slt.s32 s6, $0x1;
	s6 =	ssub.s32 $0x0, s6;
	s18 =	smul.u32 $0xFFFFFF70, s31;
	v1 =	vmov s10  }
0x34: {  	s17 =	sadd.s32 $0x40, s17;
	s8 =	smulhi.u32 $0x38E38E39, s15;
	s5 =	sshra.s32 s15, $0x1F;
	[tilespmem:s11+$0x0] =	vst v1  }
0x35: {  	s5 =	smul.u32 $0x38E38E39, s5;
	_ =	sdelay $0x1  }
0x36: {  	s5 =	sadd.s32 s5, s8  }
0x37: {  	s8 =	sshrl.u32 s5, $0x1F;
	s5 =	sshra.s32 s5, $0x5  }
0x38: {  	s5 =	sadd.s32 s8, s5  }
0x39: {  	s8 =	smul.u32 $0xFFFFFF70, s5  }
0x3a: {  	p1 =	sne.s32 s18, s6;
	s11 =	ssub.s32 $0x0, s15  }
0x3b: {  	p6 =	slt.s32 s15, $0x1;
	p0 =	por !p0, !p1;
	p2 =	sne.s32 s8, s11  }
0x3c: {  	s6 =	simm.s32 $0x1;
	p0 =	por !p0, !p0;
	p1 =	por !p6, !p2  }
0x3d: {  	s6 =	simm.s32 @!p0 $0x0;
	s8 =	simm.s32 $0x1;
	p0 =	por !p1, !p1  }
0x3e: {  	s6 =	ssub.s32 s31, s6;
	s8 =	simm.s32 @!p0 $0x0  }
0x3f: {  	s10 =	sshra.s32 s16, $0x2;
	v1 =	vmov s6;
	s5 =	ssub.s32 s5, s8  }
0x40: {  	s16 =	sshra.s32 s30, $0x2;
	s17 =	simm.s32 $0x0;
	[tilespmem:s10+$0x0] =	vst v1;
	v1 =	vmov s5  }
0x41: {  	s18 =	simm.s32 $0x280;
	s30 =	rddreg [dreg:$0x0];
	s31 =	simm.s32 $0x240;
	[tilespmem:s16+$0x0] =	vst v1  }
0x42: {  	[tilespmem:s18], [sflag:$0x1] =	stream.indirect.gather [hbm4b:s30+s31], $0x1, s17, s31, $0xb8;
	[tilespmem:$0x18780] =	vst v63  }
0x43: {  	_ =	swait.ge [sflag:s20], $0x240  }
0x44: {  	[sflag:s20] =	ssyncset.done $0x0  }
0x45: {  	[sflag:s20] =	ssyncadd.s32 $0xFFFFFDC0  }
0x46: {  	s5 =	smul.u32 $0xE38F, s17;
	v1 =	vld [tilespmem:s18+$0x0];
	_ =	sdelay $0x1  }
0x47: {  	s5 =	sshrl.u32 s5, $0x17  }
0x48: {  	s5 =	smul.u32 $0x90, s5;
	_ =	sdelay $0x1  }
0x49: {  	s5 =	ssub.s32 $0x0, s5;
	v1 =	vmul.u32 $0x90, v1  }
0x4a: {  	s5 =	sand.u32 $0xFFFF, s5  }
0x4b: {  	v1 =	vadd.s32 s5, v1  }
0x4c: {  	s15 =	simm.s32 $0x500;
	v1 =	vadd.s32 v0, v1  }
0x4d: {  	s16 =	simm.s32 $0x10;
	s17 =	simm.s32 $0x290;
	[tilespmem:s15+$0x0] =	vst v1  }
0x4e: {  	s6 =	smul.u32 $0xE38F, s16;
	s18 =	simm.s32 $0x20;
	v1 =	vld [tilespmem:s17+$0x0]  }
.LBB2_4:
0x4f: {  	p0 =	sne.s32 s18, $0x230  }
0x50: {  	s5 =	sshrl.u32 s6, $0x17  }
0x51: {  	s5 =	smul.u32 $0x90, s5;
	_ =	sdelay $0x1  }
0x52: {  	s5 =	ssub.s32 s16, s5;
	v1 =	vmul.u32 $0x90, v1;
	s16 =	smov.u32 s18  }
.Ltmp1:
0x53: {  	s5 =	sand.u32 $0xFFFF, s5;
	(pc) =	sbr.rel @p0 .LBB2_4-.Ltmp1, $4  }
0x54: {  	v1 =	vadd.s32 s5, v1  }
0x55: {  	s15 =	sadd.s32 $0x10, s15;
	v1 =	vadd.s32 v0, v1  }
0x56: {  	s17 =	sadd.s32 $0x10, s17;
	[tilespmem:s15+$0x0] =	vst v1  }
0x57: {  	s18 =	sadd.s32 $0x10, s18;
	s6 =	smul.u32 $0xE38F, s16;
	v1 =	vld [tilespmem:s17+$0x0]  }
0x58: {  	_ = 	snop  }
0x59: {  	s5 =	sshrl.u32 s6, $0x17  }
0x5a: {  	s5 =	smul.u32 $0x90, s5;
	_ =	sdelay $0x1  }
0x5b: {  	s5 =	ssub.s32 s16, s5;
	v1 =	vmul.u32 $0x90, v1  }
0x5c: {  	s5 =	sand.u32 $0xFFFF, s5  }
0x5d: {  	v1 =	vadd.s32 s5, v1  }
0x5e: {  	s11 =	sadd.s32 $0x10, s15;
	v1 =	vadd.s32 v0, v1  }
0x5f: {  	s15 =	rddreg [dreg:$0x8];
	[tilespmem:s11+$0x0] =	vst v1  }
0x60: {  	v1 =	vld [tilespmem:s15+$0x500];
	_ =	sdelay $0x4  }
0x61: {  	v1 =	vmul.u32 $0xC00, v1;
	_ =	sdelay $0x1  }
0x62: {  	v1 =	vperm.xlane v1, v0;
	_ =	sdelay $0x4  }
0x63: {  	s30 =	simm.s32 $0x0  }
0x64: {  	[tilespmem:s22], [sflag:$0x2] =	stream.indirect_vreg.gather [hbm4b:s3+s30], $0xC00, v1, vm0, $0x38;
	[tilespmem:$0x18780] =	vst v63  }
0x65: {  	_ =	swait.ge [sflag:s9], $0xC000  }
0x66: {  	[sflag:s9] =	ssyncset.done $0x0  }
0x67: {  	s16 =	rddreg [dreg:$0x7];
	[sflag:s9] =	ssyncadd.s32 $0xFFFF4000  }
0x68: {  	v1 =	vld [tilespmem:s16+$0x500];
	_ =	sdelay $0x4  }
0x69: {  	v1 =	vmul.u32 $0xC00, v1;
	_ =	sdelay $0x1  }
0x6a: {  	v1 =	vperm.xlane v1, v0;
	_ =	sdelay $0x5  }
0x6b: {  	[tilespmem:s23], [sflag:$0x3] =	stream.indirect_vreg.gather [hbm4b:s3+s30], $0xC00, v1, vm0, $0x38;
	[tilespmem:$0x18780] =	vst v63  }
0x6c: {  	s17 =	rddreg [dreg:$0x9]  }
0x6d: {  	[hbm4b:s17+s30] =	stream.linear.scatter [tilespmem:s22], [sflag:$0x4], $0xC000, $0x38;
	[tilespmem:$0x18780] =	vst v63  }
0x6e: {  	_ =	swait.ge [sflag:s24], $0xC000  }
0x6f: {  	[sflag:s24] =	ssyncset.done $0x0  }
0x70: {  	[sflag:s24] =	ssyncadd.s32 $0xFFFF4000  }
0x71: {  	_ =	swait.ge [sflag:s26], $0xC000  }
0x72: {  	[sflag:s26] =	ssyncset.done $0x0  }
0x73: {  	[sflag:s26] =	ssyncadd.s32 $0xFFFF4000  }
0x74: {  	v1 =	vld [tilespmem:s25+$0x500];
	_ =	sdelay $0x4  }
0x75: {  	v1 =	vmul.u32 $0xC00, v1;
	_ =	sdelay $0x1  }
0x76: {  	v1 =	vperm.xlane v1, v0;
	_ =	sdelay $0x5  }
0x77: {  	[tilespmem:s22], [sflag:$0x2] =	stream.indirect_vreg.gather [hbm4b:s3+s30], $0xC00, v1, vm0, $0x38;
	[tilespmem:$0x18780] =	vst v63  }
0x78: {  	s31 =	smov.u32 s19;
	s15 =	smov.u32 s21;
	s18 =	rddreg [dreg:$0xa]  }
0x79: {  	[hbm4b:s18+s30] =	stream.linear.scatter [tilespmem:s23], [sflag:$0x5], $0xC000, $0x38;
	[tilespmem:$0x18780] =	vst v63  }
0x7a: {  	s16 =	smov.u32 s2;
	s17 =	smov.u32 s0;
	s18 =	smov.u32 s1  }
.LBB2_6:
0x7b: {  	s5 =	rddreg [dreg:$0x4]  }
0x7c: {  	s6 =	rddreg [dreg:$0x5];
	_ =	swait.ge [sflag:s9], $0xC000;
	s8 =	smulhi.u32 $0x38E38E39, s17  }
0x7d: {  	[sflag:s9] =	ssyncset.done $0x0  }
0x7e: {  	[sflag:s9] =	ssyncadd.s32 $0xFFFF4000;
	s8 =	sshrl.u32 s8, $0x3  }
0x7f: {  	_ =	swait.ge [sflag:s28], $0xC000;
	s11 =	smul.u32 $0xFFFFF700, s8  }
0x80: {  	s10 =	rddreg [dreg:$0x6]  }
0x81: {  	s11 =	sshra.s32 s11, $0x2;
	s10 =	sadd.s32 s30, s10  }
0x82: {  	[sflag:s28] =	ssyncset.done $0x0;
	s6 =	sadd.s32 s11, s6;
	s10 =	sshra.s32 s10, $0x2  }
0x83: {  	[sflag:s28] =	ssyncadd.s32 $0xFFFF4000;
	s6 =	sadd.s32 s10, s6  }
0x84: {  	v1 =	vld [tilespmem:s6+$0x0];
	_ =	sdelay $0x4  }
0x85: {  	v1 =	vmul.u32 $0xC00, v1;
	_ =	sdelay $0x1  }
0x86: {  	v1 =	vperm.xlane v1, v0;
	_ =	sdelay $0x1  }
0x87: {  	s11 =	smulhi.u32 $0x38E38E39, s31;
	_ =	sdelay $0x1  }
0x88: {  	s6 =	sshrl.u32 s11, $0x3  }
0x89: {  	s6 =	smul.u32 $0x36000, s6  }
0x8a: {  	[tilespmem:s23], [sflag:$0x3] =	stream.indirect_vreg.gather [hbm4b:s3+s4], $0xC00, v1, vm0, $0x38;
	[tilespmem:$0x18780] =	vst v63  }
0x8b: {  	s11 =	smulhi.u32 $0x38E38E39, s15;
	s6 =	ssub.s32 s18, s6  }
0x8c: {  	[hbm4b:s6+s4] =	stream.linear.scatter [tilespmem:s22], [sflag:$0x4], $0xC000, $0x38;
	[tilespmem:$0x18780] =	vst v63  }
0x8d: {  	s11 =	sshrl.u32 s11, $0x3;
	_ =	swait.ge [sflag:s24], $0xC000  }
0x8e: {  	s6 =	smul.u32 $0xFFFFF700, s11;
	[sflag:s24] =	ssyncset.done $0x0  }
0x8f: {  	[sflag:s24] =	ssyncadd.s32 $0xFFFF4000  }
0x90: {  	s6 =	sshra.s32 s6, $0x2;
	_ =	swait.ge [sflag:s26], $0xC000  }
0x91: {  	s5 =	sadd.s32 s6, s5;
	[sflag:s26] =	ssyncset.done $0x0  }
0x92: {  	s5 =	sadd.s32 s10, s5;
	[sflag:s26] =	ssyncadd.s32 $0xFFFF4000  }
0x93: {  	v1 =	vld [tilespmem:s5+$0x0];
	_ =	sdelay $0x4  }
0x94: {  	v1 =	vmul.u32 $0xC00, v1;
	_ =	sdelay $0x1  }
0x95: {  	v1 =	vperm.xlane v1, v0;
	_ =	sdelay $0x2  }
0x96: {  	p0 =	sne.s32 s30, $0x780  }
.Ltmp2:
0x97: {  	s17 =	sadd.s32 $0x2, s17;
	s30 =	sadd.s32 $0x80, s30;
	(pc) =	sbr.rel @p0 .LBB2_6-.Ltmp2, $4  }
0x98: {  	s31 =	sadd.s32 $0x2, s31;
	s15 =	sadd.s32 $0x2, s15;
	s11 =	smul.u32 $0x36000, s8  }
0x99: {  	[tilespmem:s22], [sflag:$0x2] =	stream.indirect_vreg.gather [hbm4b:s3+s4], $0xC00, v1, vm0, $0x38;
	[tilespmem:$0x18780] =	vst v63  }
0x9a: {  	s18 =	sadd.s32 $0x3000, s18;
	s5 =	ssub.s32 s16, s11;
	s16 =	sadd.s32 $0x3000, s16  }
0x9b: {  	[hbm4b:s5+s4] =	stream.linear.scatter [tilespmem:s23], [sflag:$0x5], $0xC000, $0x38;
	[tilespmem:$0x18780] =	vst v63  }
0x9c: {  	_ =	swait.ge [sflag:s9], $0xC000  }
0x9d: {  	[sflag:s9] =	ssyncset.done $0x0  }
0x9e: {  	[sflag:s9] =	ssyncadd.s32 $0xFFFF4000  }
0x9f: {  	_ =	swait.ge [sflag:s28], $0xC000  }
0xa0: {  	[sflag:s28] =	ssyncset.done $0x0  }
0xa1: {  	[sflag:s28] =	ssyncadd.s32 $0xFFFF4000  }
0xa2: {  	v1 =	vld [tilespmem:s7+$0x500];
	_ =	sdelay $0x4  }
0xa3: {  	v1 =	vmul.u32 $0xC00, v1;
	_ =	sdelay $0x1  }
0xa4: {  	v1 =	vperm.xlane v1, v0;
	_ =	sdelay $0x5  }
0xa5: {  	[tilespmem:s23], [sflag:$0x3] =	stream.indirect_vreg.gather [hbm4b:s3+s4], $0xC00, v1, vm0, $0x38;
	[tilespmem:$0x18780] =	vst v63  }
0xa6: {  	s5 =	rddreg [dreg:$0xb]  }
0xa7: {  	[hbm4b:s5+s4] =	stream.linear.scatter [tilespmem:s22], [sflag:$0x4], $0xC000, $0x38;
	[tilespmem:$0x18780] =	vst v63  }
0xa8: {  	_ =	swait.ge [sflag:s24], $0xC000  }
0xa9: {  	[sflag:s24] =	ssyncset.done $0x0  }
0xaa: {  	s29 =	sadd.s32 $0x1, s29;
	[sflag:s24] =	ssyncadd.s32 $0xFFFF4000  }
0xab: {  	[hbm4b:s12+s4] =	stream.linear.scatter [tilespmem:s23], [sflag:$0x5], $0xC000, $0x38;
	[tilespmem:$0x18780] =	vst v63  }
0xac: {  	p0 =	sne.s32 s29, s13;
	_ =	swait.ge [sflag:s26], $0xC000  }
.Ltmp3:
0xad: {  	[sflag:s26] =	ssyncset.done $0x0;
	(pc) =	sbr.rel @p0 .LBB2_1-.Ltmp3, $4  }
0xae: {  	[sflag:s26] =	ssyncadd.s32 $0xFFFF4000  }
0xaf: {  	_ =	swait.ge [sflag:s28], $0xC000  }
0xb0: {  	[sflag:s28] =	ssyncset.done $0x0  }
0xb1: {  	[sflag:s28] =	ssyncadd.s32 $0xFFFF4000  }
0xb2: {  	_ =	sfence.sel $0x180000  }
0xb3: {  	[bflag:$0x0] =	sbarrier.arrive $0xFFFF  }
0xb4: {  	_ =	strace $0x90000047  }
0xb5: {  	s0 =	stileid.u32;
	[bflag:$0x2] =	sbarrier.arrive $0xFFFF  }
0xb6: {  	p0 =	sne.s32 s0, $0x0;
	s0 =	rddreg [dreg:$0x3]  }
0xb7: {  	s0 =	sadd.s32 @!p0 $0x100000, s0  }
0xb8: {  	[sflag:s0] =	ssyncadd.tile.s32 @!p0 $0x1;
	_ =	shalt  }
.Lfunc_end2:
_tile_overlayer_lowered:
.L_overlay_start_2:
0xb9: {  	(tag) =	ssettag $0x2  }
0xba: {  	s0 =	rddreg [dreg:$0x0];
	s2 =	stileid.u32  }
0xbb: {  	s1 =	rddreg [dreg:$0x1];
	p0 =	sne.s32 s2, $0x0  }
0xbc: {  	s3 =	rddreg [dreg:$0x2];
	[bflag:$0x3] =	sbarrier.arrive $0xFFFF;
	s2 =	simm.s32 @!p0 $0x1C06  }
0xbd: {  	[timem:s3], [sflag:s2] =	dma.local @!p0 [hbm:s0], s1  }
0xbe: {  	s0 =	simm.s32 @!p0 $0x6  }
0xbf: {  	_ =	swait.ge @!p0 [sflag:s0], s1  }
0xc0: {  	s1 =	ssub.s32 @!p0 $0x0, s1;
	[sflag:s0] =	ssyncset.done @!p0 $0x0  }
0xc1: {  	[sflag:s0] =	ssyncadd.s32 @!p0 s1  }
0xc2: {  	[bflag:$0x3] =	sbarrier.arrive $0xFFFF  }
0xc3: {  	_ =	shalt  }

</sc_bundles>
